<compile_context>
chip_gen: v7x
topology: tpu7x:2x2x1
jax: 0.10.2.dev20260603
libtpu: 0.0.44.dev20260713+nightly
codegen_flags: <defaults>
</compile_context>

<pallas_src>
import jax
import jax.numpy as jnp
from jax import lax
from jax.experimental import pallas as pl
from jax.experimental.pallas import tpu as pltpu
from jax.experimental.pallas import tpu_sc as plsc

N_NODES = 100000
TYPES = 100
DIM = 128
NW = 32
CHUNK = 128
FULL = 24
BIG_W = 20
PER_BIG = FULL * CHUNK + 56
PER_SMALL = FULL * CHUNK + 48
TOFF = FULL * CHUNK
NBUF = 4


def _body(idx_hbm, table_hbm, out_hbm, table_v, idx_v,
          b0, b1, b2, b3, gsem, s0, s1, s2, s3):
    wid = lax.axis_index("s") * 2 + lax.axis_index("c")
    bufs = (b0, b1, b2, b3)
    sems = (s0, s1, s2, s3)

    base = PER_SMALL * wid + 8 * jnp.minimum(wid, BIG_W)
    is_big = wid < BIG_W

    @pl.when(lax.axis_index("s") == 0)
    def _stage_table():
        pltpu.async_copy(table_hbm, table_v, gsem)

    @pl.when(is_big)
    def _stage_idx_big():
        pltpu.sync_copy(idx_hbm.at[pl.ds(base, PER_BIG)],
                        idx_v.at[pl.ds(0, PER_BIG)])

    @pl.when(jnp.logical_not(is_big))
    def _stage_idx_small():
        pltpu.sync_copy(idx_hbm.at[pl.ds(base, PER_SMALL)],
                        idx_v.at[pl.ds(0, PER_SMALL)])

    @pl.when(lax.axis_index("s") == 0)
    def _wait_table():
        pltpu.make_async_copy(table_hbm, table_v, gsem).wait()
    plsc.subcore_barrier()

    def out_base(j):
        return base + j * CHUNK

    def gather_issue(j, b):
        pltpu.async_copy(
            table_v.at[idx_v.at[pl.ds(j * CHUNK, CHUNK)]], bufs[b], gsem)

    def gather_wait(j, b):
        pltpu.make_async_copy(
            table_v.at[idx_v.at[pl.ds(j * CHUNK, CHUNK)]], bufs[b], gsem).wait()

    def scat_issue(j, b):
        pltpu.async_copy(bufs[b], out_hbm.at[pl.ds(out_base(j), CHUNK)], sems[b])

    def scat_wait(j, b):
        pltpu.make_async_copy(
            bufs[b], out_hbm.at[pl.ds(out_base(j), CHUNK)], sems[b]).wait()

    def tail_both(op):
        @pl.when(is_big)
        def _t_big():
            op(56)
        @pl.when(jnp.logical_not(is_big))
        def _t_small():
            op(48)

    def tail_gather_issue():
        tail_both(lambda n: pltpu.async_copy(
            table_v.at[idx_v.at[pl.ds(TOFF, n)]], b0.at[pl.ds(0, n)], gsem))

    def tail_gather_wait():
        tail_both(lambda n: pltpu.make_async_copy(
            table_v.at[idx_v.at[pl.ds(TOFF, n)]], b0.at[pl.ds(0, n)],
            gsem).wait())

    def tail_scat_issue():
        tail_both(lambda n: pltpu.async_copy(
            b0.at[pl.ds(0, n)], out_hbm.at[pl.ds(base + TOFF, n)], s0))

    def tail_scat_wait():
        tail_both(lambda n: pltpu.make_async_copy(
            b0.at[pl.ds(0, n)], out_hbm.at[pl.ds(base + TOFF, n)], s0).wait())

    gather_issue(0, 0)
    for j in range(3):
        gather_issue(j + 1, j + 1)
        gather_wait(j, j)
        scat_issue(j, j)

    scat_wait(0, 0)
    gather_issue(4, 0)
    gather_wait(3, 3)
    scat_issue(3, 3)

    def steady(i, carry):
        for b in range(NBUF):
            j = i * NBUF + b
            nb = (b + 1) % NBUF
            scat_wait(j - 3, nb)
            gather_issue(j + 1, nb)
            gather_wait(j, b)
            scat_issue(j, b)
        return carry

    lax.fori_loop(1, FULL // NBUF - 1, steady, 0)

    for j in range(20, 24):
        b = j % NBUF
        nb = (b + 1) % NBUF
        scat_wait(j - 3, nb)
        if j < 23:
            gather_issue(j + 1, nb)
        else:
            tail_gather_issue()
        gather_wait(j, b)
        scat_issue(j, b)

    tail_gather_wait()
    tail_scat_issue()

    scat_wait(21, 1)
    scat_wait(22, 2)
    scat_wait(23, 3)
    tail_scat_wait()


def kernel(node_type, table):
    mesh = plsc.VectorSubcoreMesh(core_axis_name="c", subcore_axis_name="s")
    f = pl.kernel(
        _body,
        mesh=mesh,
        out_type=jax.ShapeDtypeStruct((N_NODES, DIM), jnp.float32),
        scratch_types=[
            pltpu.VMEM_SHARED((TYPES, DIM), jnp.float32),
            pltpu.VMEM((PER_BIG,), jnp.int32),
            *[pltpu.VMEM((CHUNK, DIM), jnp.float32) for _ in range(NBUF)],
            pltpu.SemaphoreType.DMA,
            *[pltpu.SemaphoreType.DMA for _ in range(NBUF)],
        ],
    )
    return f(node_type.astype(jnp.int32), table)

# --- scband reference (transcript-rebuilt; emitter-appended) ---
"""Pipeline reference for scband-atom-embedding-16449724744292 (READ-ONLY COPY).

The authoritative reference and input builder live on the scoring server;
editing this copy changes nothing except your own understanding.
"""

import jax, jax.numpy as jnp
import numpy as np

N_NODES = 100000
TYPE_NUM = 100
DIM = 128

def setup_inputs(seed: int = 0) -> dict:
    key = jax.random.key(seed)
    k1, k2 = jax.random.split(key)
    node_type = jax.random.randint(k1, (N_NODES,), 0, TYPE_NUM, dtype=jnp.int64 if jax.config.jax_enable_x64 else jnp.int32)
    # nn.Embedding default init: N(0,1); padding_idx=0 row is zeroed
    table = jax.random.normal(k2, (TYPE_NUM, DIM), dtype=jnp.float32)
    table = table.at[0].set(0.0)
    return {"node_type": node_type, "table": table}

def reference(node_type, table):
    # AtomEmbedding.forward: embedding lookup of node_type -> [N, dim]
    return jnp.take(table, node_type, axis=0)

if __name__ == "__main__":
    import jax
    _d = setup_inputs()
    print(jax.jit(kernel)(*tuple(_d.values())))

</pallas_src>

<mosaic_0001>
#map = affine_map<(d0, d1) -> (0)>
#map1 = affine_map<(d0, d1) -> (0, 0)>
module attributes {stable_mosaic.version = 14 : i64} {
  func.func @_body(%arg0: i32, %arg1: i32, %arg2: memref<100000xi32, #tpu.memory_space<hbm>>, %arg3: memref<100x128xf32, #tpu.memory_space<hbm>>, %arg4: memref<100000x128xf32, #tpu.memory_space<hbm>>, %arg5: memref<100x128xf32, #tpu.memory_space<vmem_shared>>, %arg6: memref<3128xi32, #tpu.memory_space<vmem>>, %arg7: memref<128x128xf32, #tpu.memory_space<vmem>>, %arg8: memref<128x128xf32, #tpu.memory_space<vmem>>, %arg9: memref<128x128xf32, #tpu.memory_space<vmem>>, %arg10: memref<128x128xf32, #tpu.memory_space<vmem>>, %arg11: memref<!tpu.dma_semaphore, #tpu.memory_space<semaphore_mem>>, %arg12: memref<!tpu.dma_semaphore, #tpu.memory_space<semaphore_mem>>, %arg13: memref<!tpu.dma_semaphore, #tpu.memory_space<semaphore_mem>>, %arg14: memref<!tpu.dma_semaphore, #tpu.memory_space<semaphore_mem>>, %arg15: memref<!tpu.dma_semaphore, #tpu.memory_space<semaphore_mem>>) attributes {dimension_semantics = [#tpu.dimension_semantics<core_parallel>, #tpu.dimension_semantics<subcore_parallel>], iteration_bounds = array<i64: 2, 16>, scalar_prefetch = 0 : i64, scratch_operands = 11 : i64, tpu.core_type = #tpu.core_type<sc_vector_subcore>, window_params = [{transform_indices = #map}, {transform_indices = #map1}, {transform_indices = #map1}]} {
    %mul3A = arith.constant 2 : i32
    %mul3A_0 = arith.muli %arg1, %mul3A : i32
    %add3A = arith.addi %mul3A_0, %arg0 : i32
    %mul3A_1 = arith.constant 3120 : i32
    %mul3A_2 = arith.muli %mul3A_1, %add3A : i32
    %min3A = arith.constant 20 : i32
    %min3A_3 = arith.minsi %add3A, %min3A : i32
    %mul3A_4 = arith.constant 8 : i32
    %mul3A_5 = arith.muli %mul3A_4, %min3A_3 : i32
    %add3A_6 = arith.addi %mul3A_2, %mul3A_5 : i32
    %lt3A = arith.constant 20 : i32
    %lt3A_7 = arith.cmpi slt, %add3A, %lt3A : i32
    %eq3A = arith.constant 0 : i32
    %eq3A_8 = arith.cmpi eq, %arg1, %eq3A : i32
    %convert_element_type3A = arith.extui %eq3A_8 : i1 to i32
    %cond3A = arith.constant 0 : i32
    %cond3A_9 = arith.cmpi ne, %convert_element_type3A, %cond3A : i32
    scf.if %cond3A_9 {
      tpu.enqueue_dma source(%arg3 : memref<100x128xf32, #tpu.memory_space<hbm>>) target(%arg5 : memref<100x128xf32, #tpu.memory_space<vmem_shared>>) target_semaphore(%arg11 : memref<!tpu.dma_semaphore, #tpu.memory_space<semaphore_mem>>)
    } else {
    }
    %convert_element_type3A_10 = arith.extui %lt3A_7 : i1 to i32
    %cond3A_11 = arith.constant 0 : i32
    %cond3A_12 = arith.cmpi ne, %convert_element_type3A_10, %cond3A_11 : i32
    scf.if %cond3A_12 {
      "tpu.region"() ({
        %run_scoped3A = tpu.sem_alloc : memref<!tpu.dma_semaphore, #tpu.memory_space<semaphore_mem>>
        %dma_start3A_233 = arith.constant 0 : i32
        %dma_start3A_234 = tpu.memref_slice %arg6[%dma_start3A_233] : memref<3128xi32, #tpu.memory_space<vmem>> -> memref<3128xi32, #tpu.memory_space<vmem>>
        %dma_start3A_235 = tpu.memref_slice %arg2[%add3A_6] : memref<100000xi32, #tpu.memory_space<hbm>> -> memref<3128xi32, #tpu.memory_space<hbm>>
        %dma_start3A_236 = arith.constant 0 : i32
        %dma_start3A_237 = tpu.memref_slice %arg6[%dma_start3A_236] : memref<3128xi32, #tpu.memory_space<vmem>> -> memref<3128xi32, #tpu.memory_space<vmem>>
        %dma_start3A_238 = tpu.memref_slice %arg2[%add3A_6] : memref<100000xi32, #tpu.memory_space<hbm>> -> memref<3128xi32, #tpu.memory_space<hbm>>
        tpu.enqueue_dma source(%dma_start3A_238 : memref<3128xi32, #tpu.memory_space<hbm>>) target(%dma_start3A_237 : memref<3128xi32, #tpu.memory_space<vmem>>) target_semaphore(%run_scoped3A : memref<!tpu.dma_semaphore, #tpu.memory_space<semaphore_mem>>)
        %dma_wait3A_239 = arith.constant 0 : i32
        %dma_wait3A_240 = tpu.memref_slice %arg6[%dma_wait3A_239] : memref<3128xi32, #tpu.memory_space<vmem>> -> memref<3128xi32, #tpu.memory_space<vmem>>
        %dma_wait3A_241 = tpu.memref_slice %arg2[%add3A_6] : memref<100000xi32, #tpu.memory_space<hbm>> -> memref<3128xi32, #tpu.memory_space<hbm>>
        %dma_wait3A_242 = arith.constant 0 : i32
        %dma_wait3A_243 = tpu.memref_slice %arg6[%dma_wait3A_242] : memref<3128xi32, #tpu.memory_space<vmem>> -> memref<3128xi32, #tpu.memory_space<vmem>>
        %dma_wait3A_244 = tpu.memref_slice %arg2[%add3A_6] : memref<100000xi32, #tpu.memory_space<hbm>> -> memref<3128xi32, #tpu.memory_space<hbm>>
        tpu.wait_dma2 semaphore(%run_scoped3A : memref<!tpu.dma_semaphore, #tpu.memory_space<semaphore_mem>>) src(%dma_wait3A_244 : memref<3128xi32, #tpu.memory_space<hbm>>) dst(%dma_wait3A_243 : memref<3128xi32, #tpu.memory_space<vmem>>)
        tpu.yield
      }) : () -> ()
    } else {
    }
    %not3A = arith.constant true
    %not3A_13 = arith.xori %lt3A_7, %not3A : i1
    %convert_element_type3A_14 = arith.extui %not3A_13 : i1 to i32
    %cond3A_15 = arith.constant 0 : i32
    %cond3A_16 = arith.cmpi ne, %convert_element_type3A_14, %cond3A_15 : i32
    scf.if %cond3A_16 {
      "tpu.region"() ({
        %run_scoped3A = tpu.sem_alloc : memref<!tpu.dma_semaphore, #tpu.memory_space<semaphore_mem>>
        %dma_start3A_233 = arith.constant 0 : i32
        %dma_start3A_234 = tpu.memref_slice %arg6[%dma_start3A_233] : memref<3128xi32, #tpu.memory_space<vmem>> -> memref<3120xi32, #tpu.memory_space<vmem>>
        %dma_start3A_235 = tpu.memref_slice %arg2[%add3A_6] : memref<100000xi32, #tpu.memory_space<hbm>> -> memref<3120xi32, #tpu.memory_space<hbm>>
        %dma_start3A_236 = arith.constant 0 : i32
        %dma_start3A_237 = tpu.memref_slice %arg6[%dma_start3A_236] : memref<3128xi32, #tpu.memory_space<vmem>> -> memref<3120xi32, #tpu.memory_space<vmem>>
        %dma_start3A_238 = tpu.memref_slice %arg2[%add3A_6] : memref<100000xi32, #tpu.memory_space<hbm>> -> memref<3120xi32, #tpu.memory_space<hbm>>
        tpu.enqueue_dma source(%dma_start3A_238 : memref<3120xi32, #tpu.memory_space<hbm>>) target(%dma_start3A_237 : memref<3120xi32, #tpu.memory_space<vmem>>) target_semaphore(%run_scoped3A : memref<!tpu.dma_semaphore, #tpu.memory_space<semaphore_mem>>)
        %dma_wait3A_239 = arith.constant 0 : i32
        %dma_wait3A_240 = tpu.memref_slice %arg6[%dma_wait3A_239] : memref<3128xi32, #tpu.memory_space<vmem>> -> memref<3120xi32, #tpu.memory_space<vmem>>
        %dma_wait3A_241 = tpu.memref_slice %arg2[%add3A_6] : memref<100000xi32, #tpu.memory_space<hbm>> -> memref<3120xi32, #tpu.memory_space<hbm>>
        %dma_wait3A_242 = arith.constant 0 : i32
        %dma_wait3A_243 = tpu.memref_slice %arg6[%dma_wait3A_242] : memref<3128xi32, #tpu.memory_space<vmem>> -> memref<3120xi32, #tpu.memory_space<vmem>>
        %dma_wait3A_244 = tpu.memref_slice %arg2[%add3A_6] : memref<100000xi32, #tpu.memory_space<hbm>> -> memref<3120xi32, #tpu.memory_space<hbm>>
        tpu.wait_dma2 semaphore(%run_scoped3A : memref<!tpu.dma_semaphore, #tpu.memory_space<semaphore_mem>>) src(%dma_wait3A_244 : memref<3120xi32, #tpu.memory_space<hbm>>) dst(%dma_wait3A_243 : memref<3120xi32, #tpu.memory_space<vmem>>)
        tpu.yield
      }) : () -> ()
    } else {
    }
    %eq3A_17 = arith.constant 0 : i32
    %eq3A_18 = arith.cmpi eq, %arg1, %eq3A_17 : i32
    %convert_element_type3A_19 = arith.extui %eq3A_18 : i1 to i32
    %cond3A_20 = arith.constant 0 : i32
    %cond3A_21 = arith.cmpi ne, %convert_element_type3A_19, %cond3A_20 : i32
    scf.if %cond3A_21 {
      tpu.wait_dma2 semaphore(%arg11 : memref<!tpu.dma_semaphore, #tpu.memory_space<semaphore_mem>>) src(%arg3 : memref<100x128xf32, #tpu.memory_space<hbm>>) dst(%arg5 : memref<100x128xf32, #tpu.memory_space<vmem_shared>>)
    } else {
    }
    %barrier3A = arith.constant 0 : index
    tpu.barrier barrier_id(%barrier3A)
    %dma_start3A = arith.constant 0 : i32
    %dma_start3A_22 = tpu.memref_slice %arg6[%dma_start3A] : memref<3128xi32, #tpu.memory_space<vmem>> -> memref<128xi32, #tpu.memory_space<vmem>>
    %dma_start3A_23 = arith.constant 0 : i32
    %dma_start3A_24 = arith.constant 0 : i32
    %dma_start3A_25 = tpu.memref_slice %arg5[%dma_start3A_23, %dma_start3A_24] : memref<100x128xf32, #tpu.memory_space<vmem_shared>> -> memref<100x128xf32, #tpu.memory_space<vmem_shared>>
    tpu.enqueue_indirect_dma source(%dma_start3A_25 : memref<100x128xf32, #tpu.memory_space<vmem_shared>>) target(%arg7 : memref<128x128xf32, #tpu.memory_space<vmem>>) offsets(%dma_start3A_22 : memref<128xi32, #tpu.memory_space<vmem>>) semaphore(%arg11 : memref<!tpu.dma_semaphore, #tpu.memory_space<semaphore_mem>>)
    %dma_start3A_26 = arith.constant 128 : i32
    %dma_start3A_27 = tpu.memref_slice %arg6[%dma_start3A_26] : memref<3128xi32, #tpu.memory_space<vmem>> -> memref<128xi32, #tpu.memory_space<vmem>>
    %dma_start3A_28 = arith.constant 0 : i32
    %dma_start3A_29 = arith.constant 0 : i32
    %dma_start3A_30 = tpu.memref_slice %arg5[%dma_start3A_28, %dma_start3A_29] : memref<100x128xf32, #tpu.memory_space<vmem_shared>> -> memref<100x128xf32, #tpu.memory_space<vmem_shared>>
    tpu.enqueue_indirect_dma source(%dma_start3A_30 : memref<100x128xf32, #tpu.memory_space<vmem_shared>>) target(%arg8 : memref<128x128xf32, #tpu.memory_space<vmem>>) offsets(%dma_start3A_27 : memref<128xi32, #tpu.memory_space<vmem>>) semaphore(%arg11 : memref<!tpu.dma_semaphore, #tpu.memory_space<semaphore_mem>>)
    %dma_wait3A = arith.constant 0 : i32
    %dma_wait3A_31 = tpu.memref_slice %arg6[%dma_wait3A] : memref<3128xi32, #tpu.memory_space<vmem>> -> memref<128xi32, #tpu.memory_space<vmem>>
    %dma_wait3A_32 = arith.constant 0 : i32
    %dma_wait3A_33 = arith.constant 0 : i32
    %dma_wait3A_34 = tpu.memref_slice %arg5[%dma_wait3A_32, %dma_wait3A_33] : memref<100x128xf32, #tpu.memory_space<vmem_shared>> -> memref<100x128xf32, #tpu.memory_space<vmem_shared>>
    tpu.wait_indirect_dma semaphore(%arg11 : memref<!tpu.dma_semaphore, #tpu.memory_space<semaphore_mem>>) src(%dma_wait3A_34 : memref<100x128xf32, #tpu.memory_space<vmem_shared>>) dst(%arg7 : memref<128x128xf32, #tpu.memory_space<vmem>>)
    %add3A_35 = arith.constant 0 : i32
    %add3A_36 = arith.addi %add3A_6, %add3A_35 : i32
    %dma_start3A_37 = arith.constant 0 : i32
    %dma_start3A_38 = tpu.memref_slice %arg4[%add3A_36, %dma_start3A_37] : memref<100000x128xf32, #tpu.memory_space<hbm>> -> memref<128x128xf32, #tpu.memory_space<hbm>>
    %dma_start3A_39 = arith.constant 0 : i32
    %dma_start3A_40 = tpu.memref_slice %arg4[%add3A_36, %dma_start3A_39] : memref<100000x128xf32, #tpu.memory_space<hbm>> -> memref<128x128xf32, #tpu.memory_space<hbm>>
    tpu.enqueue_dma source(%arg7 : memref<128x128xf32, #tpu.memory_space<vmem>>) target(%dma_start3A_40 : memref<128x128xf32, #tpu.memory_space<hbm>>) target_semaphore(%arg12 : memref<!tpu.dma_semaphore, #tpu.memory_space<semaphore_mem>>)
    %dma_start3A_41 = arith.constant 256 : i32
    %dma_start3A_42 = tpu.memref_slice %arg6[%dma_start3A_41] : memref<3128xi32, #tpu.memory_space<vmem>> -> memref<128xi32, #tpu.memory_space<vmem>>
    %dma_start3A_43 = arith.constant 0 : i32
    %dma_start3A_44 = arith.constant 0 : i32
    %dma_start3A_45 = tpu.memref_slice %arg5[%dma_start3A_43, %dma_start3A_44] : memref<100x128xf32, #tpu.memory_space<vmem_shared>> -> memref<100x128xf32, #tpu.memory_space<vmem_shared>>
    tpu.enqueue_indirect_dma source(%dma_start3A_45 : memref<100x128xf32, #tpu.memory_space<vmem_shared>>) target(%arg9 : memref<128x128xf32, #tpu.memory_space<vmem>>) offsets(%dma_start3A_42 : memref<128xi32, #tpu.memory_space<vmem>>) semaphore(%arg11 : memref<!tpu.dma_semaphore, #tpu.memory_space<semaphore_mem>>)
    %dma_wait3A_46 = arith.constant 128 : i32
    %dma_wait3A_47 = tpu.memref_slice %arg6[%dma_wait3A_46] : memref<3128xi32, #tpu.memory_space<vmem>> -> memref<128xi32, #tpu.memory_space<vmem>>
    %dma_wait3A_48 = arith.constant 0 : i32
    %dma_wait3A_49 = arith.constant 0 : i32
    %dma_wait3A_50 = tpu.memref_slice %arg5[%dma_wait3A_48, %dma_wait3A_49] : memref<100x128xf32, #tpu.memory_space<vmem_shared>> -> memref<100x128xf32, #tpu.memory_space<vmem_shared>>
    tpu.wait_indirect_dma semaphore(%arg11 : memref<!tpu.dma_semaphore, #tpu.memory_space<semaphore_mem>>) src(%dma_wait3A_50 : memref<100x128xf32, #tpu.memory_space<vmem_shared>>) dst(%arg8 : memref<128x128xf32, #tpu.memory_space<vmem>>)
    %add3A_51 = arith.constant 128 : i32
    %add3A_52 = arith.addi %add3A_6, %add3A_51 : i32
    %dma_start3A_53 = arith.constant 0 : i32
    %dma_start3A_54 = tpu.memref_slice %arg4[%add3A_52, %dma_start3A_53] : memref<100000x128xf32, #tpu.memory_space<hbm>> -> memref<128x128xf32, #tpu.memory_space<hbm>>
    %dma_start3A_55 = arith.constant 0 : i32
    %dma_start3A_56 = tpu.memref_slice %arg4[%add3A_52, %dma_start3A_55] : memref<100000x128xf32, #tpu.memory_space<hbm>> -> memref<128x128xf32, #tpu.memory_space<hbm>>
    tpu.enqueue_dma source(%arg8 : memref<128x128xf32, #tpu.memory_space<vmem>>) target(%dma_start3A_56 : memref<128x128xf32, #tpu.memory_space<hbm>>) target_semaphore(%arg13 : memref<!tpu.dma_semaphore, #tpu.memory_space<semaphore_mem>>)
    %dma_start3A_57 = arith.constant 384 : i32
    %dma_start3A_58 = tpu.memref_slice %arg6[%dma_start3A_57] : memref<3128xi32, #tpu.memory_space<vmem>> -> memref<128xi32, #tpu.memory_space<vmem>>
    %dma_start3A_59 = arith.constant 0 : i32
    %dma_start3A_60 = arith.constant 0 : i32
    %dma_start3A_61 = tpu.memref_slice %arg5[%dma_start3A_59, %dma_start3A_60] : memref<100x128xf32, #tpu.memory_space<vmem_shared>> -> memref<100x128xf32, #tpu.memory_space<vmem_shared>>
    tpu.enqueue_indirect_dma source(%dma_start3A_61 : memref<100x128xf32, #tpu.memory_space<vmem_shared>>) target(%arg10 : memref<128x128xf32, #tpu.memory_space<vmem>>) offsets(%dma_start3A_58 : memref<128xi32, #tpu.memory_space<vmem>>) semaphore(%arg11 : memref<!tpu.dma_semaphore, #tpu.memory_space<semaphore_mem>>)
    %dma_wait3A_62 = arith.constant 256 : i32
    %dma_wait3A_63 = tpu.memref_slice %arg6[%dma_wait3A_62] : memref<3128xi32, #tpu.memory_space<vmem>> -> memref<128xi32, #tpu.memory_space<vmem>>
    %dma_wait3A_64 = arith.constant 0 : i32
    %dma_wait3A_65 = arith.constant 0 : i32
    %dma_wait3A_66 = tpu.memref_slice %arg5[%dma_wait3A_64, %dma_wait3A_65] : memref<100x128xf32, #tpu.memory_space<vmem_shared>> -> memref<100x128xf32, #tpu.memory_space<vmem_shared>>
    tpu.wait_indirect_dma semaphore(%arg11 : memref<!tpu.dma_semaphore, #tpu.memory_space<semaphore_mem>>) src(%dma_wait3A_66 : memref<100x128xf32, #tpu.memory_space<vmem_shared>>) dst(%arg9 : memref<128x128xf32, #tpu.memory_space<vmem>>)
    %add3A_67 = arith.constant 256 : i32
    %add3A_68 = arith.addi %add3A_6, %add3A_67 : i32
    %dma_start3A_69 = arith.constant 0 : i32
    %dma_start3A_70 = tpu.memref_slice %arg4[%add3A_68, %dma_start3A_69] : memref<100000x128xf32, #tpu.memory_space<hbm>> -> memref<128x128xf32, #tpu.memory_space<hbm>>
    %dma_start3A_71 = arith.constant 0 : i32
    %dma_start3A_72 = tpu.memref_slice %arg4[%add3A_68, %dma_start3A_71] : memref<100000x128xf32, #tpu.memory_space<hbm>> -> memref<128x128xf32, #tpu.memory_space<hbm>>
    tpu.enqueue_dma source(%arg9 : memref<128x128xf32, #tpu.memory_space<vmem>>) target(%dma_start3A_72 : memref<128x128xf32, #tpu.memory_space<hbm>>) target_semaphore(%arg14 : memref<!tpu.dma_semaphore, #tpu.memory_space<semaphore_mem>>)
    %add3A_73 = arith.constant 0 : i32
    %add3A_74 = arith.addi %add3A_6, %add3A_73 : i32
    %dma_wait3A_75 = arith.constant 0 : i32
    %dma_wait3A_76 = tpu.memref_slice %arg4[%add3A_74, %dma_wait3A_75] : memref<100000x128xf32, #tpu.memory_space<hbm>> -> memref<128x128xf32, #tpu.memory_space<hbm>>
    %dma_wait3A_77 = arith.constant 0 : i32
    %dma_wait3A_78 = tpu.memref_slice %arg4[%add3A_74, %dma_wait3A_77] : memref<100000x128xf32, #tpu.memory_space<hbm>> -> memref<128x128xf32, #tpu.memory_space<hbm>>
    tpu.wait_dma2 semaphore(%arg12 : memref<!tpu.dma_semaphore, #tpu.memory_space<semaphore_mem>>) src(%arg7 : memref<128x128xf32, #tpu.memory_space<vmem>>) dst(%dma_wait3A_78 : memref<128x128xf32, #tpu.memory_space<hbm>>)
    %dma_start3A_79 = arith.constant 512 : i32
    %dma_start3A_80 = tpu.memref_slice %arg6[%dma_start3A_79] : memref<3128xi32, #tpu.memory_space<vmem>> -> memref<128xi32, #tpu.memory_space<vmem>>
    %dma_start3A_81 = arith.constant 0 : i32
    %dma_start3A_82 = arith.constant 0 : i32
    %dma_start3A_83 = tpu.memref_slice %arg5[%dma_start3A_81, %dma_start3A_82] : memref<100x128xf32, #tpu.memory_space<vmem_shared>> -> memref<100x128xf32, #tpu.memory_space<vmem_shared>>
    tpu.enqueue_indirect_dma source(%dma_start3A_83 : memref<100x128xf32, #tpu.memory_space<vmem_shared>>) target(%arg7 : memref<128x128xf32, #tpu.memory_space<vmem>>) offsets(%dma_start3A_80 : memref<128xi32, #tpu.memory_space<vmem>>) semaphore(%arg11 : memref<!tpu.dma_semaphore, #tpu.memory_space<semaphore_mem>>)
    %dma_wait3A_84 = arith.constant 384 : i32
    %dma_wait3A_85 = tpu.memref_slice %arg6[%dma_wait3A_84] : memref<3128xi32, #tpu.memory_space<vmem>> -> memref<128xi32, #tpu.memory_space<vmem>>
    %dma_wait3A_86 = arith.constant 0 : i32
    %dma_wait3A_87 = arith.constant 0 : i32
    %dma_wait3A_88 = tpu.memref_slice %arg5[%dma_wait3A_86, %dma_wait3A_87] : memref<100x128xf32, #tpu.memory_space<vmem_shared>> -> memref<100x128xf32, #tpu.memory_space<vmem_shared>>
    tpu.wait_indirect_dma semaphore(%arg11 : memref<!tpu.dma_semaphore, #tpu.memory_space<semaphore_mem>>) src(%dma_wait3A_88 : memref<100x128xf32, #tpu.memory_space<vmem_shared>>) dst(%arg10 : memref<128x128xf32, #tpu.memory_space<vmem>>)
    %add3A_89 = arith.constant 384 : i32
    %add3A_90 = arith.addi %add3A_6, %add3A_89 : i32
    %dma_start3A_91 = arith.constant 0 : i32
    %dma_start3A_92 = tpu.memref_slice %arg4[%add3A_90, %dma_start3A_91] : memref<100000x128xf32, #tpu.memory_space<hbm>> -> memref<128x128xf32, #tpu.memory_space<hbm>>
    %dma_start3A_93 = arith.constant 0 : i32
    %dma_start3A_94 = tpu.memref_slice %arg4[%add3A_90, %dma_start3A_93] : memref<100000x128xf32, #tpu.memory_space<hbm>> -> memref<128x128xf32, #tpu.memory_space<hbm>>
    tpu.enqueue_dma source(%arg10 : memref<128x128xf32, #tpu.memory_space<vmem>>) target(%dma_start3A_94 : memref<128x128xf32, #tpu.memory_space<hbm>>) target_semaphore(%arg15 : memref<!tpu.dma_semaphore, #tpu.memory_space<semaphore_mem>>)
    %scan3A = arith.constant 0 : i32
    %scan3A_95 = arith.constant 1 : i32
    %scan3A_96 = arith.constant 4 : i32
    %scan3A_97 = arith.addi %scan3A_95, %scan3A_96 : i32
    %scan3A_98 = arith.constant 1 : i32
    scf.for %scan3A_233 = %scan3A_95 to %scan3A_97 step %scan3A_98  : i32 {
      %mul3A_234 = arith.constant 4 : i32
      %mul3A_235 = arith.muli %scan3A_233, %mul3A_234 : i32
      %add3A_236 = arith.constant 0 : i32
      %add3A_237 = arith.addi %mul3A_235, %add3A_236 : i32
      %sub3A = arith.constant 3 : i32
      %sub3A_238 = arith.subi %add3A_237, %sub3A : i32
      %mul3A_239 = arith.constant 128 : i32
      %mul3A_240 = arith.muli %sub3A_238, %mul3A_239 : i32
      %add3A_241 = arith.addi %add3A_6, %mul3A_240 : i32
      %dma_wait3A_242 = arith.constant 0 : i32
      %dma_wait3A_243 = tpu.memref_slice %arg4[%add3A_241, %dma_wait3A_242] : memref<100000x128xf32, #tpu.memory_space<hbm>> -> memref<128x128xf32, #tpu.memory_space<hbm>>
      %dma_wait3A_244 = arith.constant 0 : i32
      %dma_wait3A_245 = tpu.memref_slice %arg4[%add3A_241, %dma_wait3A_244] : memref<100000x128xf32, #tpu.memory_space<hbm>> -> memref<128x128xf32, #tpu.memory_space<hbm>>
      tpu.wait_dma2 semaphore(%arg13 : memref<!tpu.dma_semaphore, #tpu.memory_space<semaphore_mem>>) src(%arg8 : memref<128x128xf32, #tpu.memory_space<vmem>>) dst(%dma_wait3A_245 : memref<128x128xf32, #tpu.memory_space<hbm>>)
      %add3A_246 = arith.constant 1 : i32
      %add3A_247 = arith.addi %add3A_237, %add3A_246 : i32
      %mul3A_248 = arith.constant 128 : i32
      %mul3A_249 = arith.muli %add3A_247, %mul3A_248 : i32
      %dma_start3A_250 = tpu.memref_slice %arg6[%mul3A_249] : memref<3128xi32, #tpu.memory_space<vmem>> -> memref<128xi32, #tpu.memory_space<vmem>>
      %dma_start3A_251 = arith.constant 0 : i32
      %dma_start3A_252 = arith.constant 0 : i32
      %dma_start3A_253 = tpu.memref_slice %arg5[%dma_start3A_251, %dma_start3A_252] : memref<100x128xf32, #tpu.memory_space<vmem_shared>> -> memref<100x128xf32, #tpu.memory_space<vmem_shared>>
      tpu.enqueue_indirect_dma source(%dma_start3A_253 : memref<100x128xf32, #tpu.memory_space<vmem_shared>>) target(%arg8 : memref<128x128xf32, #tpu.memory_space<vmem>>) offsets(%dma_start3A_250 : memref<128xi32, #tpu.memory_space<vmem>>) semaphore(%arg11 : memref<!tpu.dma_semaphore, #tpu.memory_space<semaphore_mem>>)
      %mul3A_254 = arith.constant 128 : i32
      %mul3A_255 = arith.muli %add3A_237, %mul3A_254 : i32
      %dma_wait3A_256 = tpu.memref_slice %arg6[%mul3A_255] : memref<3128xi32, #tpu.memory_space<vmem>> -> memref<128xi32, #tpu.memory_space<vmem>>
      %dma_wait3A_257 = arith.constant 0 : i32
      %dma_wait3A_258 = arith.constant 0 : i32
      %dma_wait3A_259 = tpu.memref_slice %arg5[%dma_wait3A_257, %dma_wait3A_258] : memref<100x128xf32, #tpu.memory_space<vmem_shared>> -> memref<100x128xf32, #tpu.memory_space<vmem_shared>>
      tpu.wait_indirect_dma semaphore(%arg11 : memref<!tpu.dma_semaphore, #tpu.memory_space<semaphore_mem>>) src(%dma_wait3A_259 : memref<100x128xf32, #tpu.memory_space<vmem_shared>>) dst(%arg7 : memref<128x128xf32, #tpu.memory_space<vmem>>)
      %mul3A_260 = arith.constant 128 : i32
      %mul3A_261 = arith.muli %add3A_237, %mul3A_260 : i32
      %add3A_262 = arith.addi %add3A_6, %mul3A_261 : i32
      %dma_start3A_263 = arith.constant 0 : i32
      %dma_start3A_264 = tpu.memref_slice %arg4[%add3A_262, %dma_start3A_263] : memref<100000x128xf32, #tpu.memory_space<hbm>> -> memref<128x128xf32, #tpu.memory_space<hbm>>
      %dma_start3A_265 = arith.constant 0 : i32
      %dma_start3A_266 = tpu.memref_slice %arg4[%add3A_262, %dma_start3A_265] : memref<100000x128xf32, #tpu.memory_space<hbm>> -> memref<128x128xf32, #tpu.memory_space<hbm>>
      tpu.enqueue_dma source(%arg7 : memref<128x128xf32, #tpu.memory_space<vmem>>) target(%dma_start3A_266 : memref<128x128xf32, #tpu.memory_space<hbm>>) target_semaphore(%arg12 : memref<!tpu.dma_semaphore, #tpu.memory_space<semaphore_mem>>)
      %mul3A_267 = arith.constant 4 : i32
      %mul3A_268 = arith.muli %scan3A_233, %mul3A_267 : i32
      %add3A_269 = arith.constant 1 : i32
      %add3A_270 = arith.addi %mul3A_268, %add3A_269 : i32
      %sub3A_271 = arith.constant 3 : i32
      %sub3A_272 = arith.subi %add3A_270, %sub3A_271 : i32
      %mul3A_273 = arith.constant 128 : i32
      %mul3A_274 = arith.muli %sub3A_272, %mul3A_273 : i32
      %add3A_275 = arith.addi %add3A_6, %mul3A_274 : i32
      %dma_wait3A_276 = arith.constant 0 : i32
      %dma_wait3A_277 = tpu.memref_slice %arg4[%add3A_275, %dma_wait3A_276] : memref<100000x128xf32, #tpu.memory_space<hbm>> -> memref<128x128xf32, #tpu.memory_space<hbm>>
      %dma_wait3A_278 = arith.constant 0 : i32
      %dma_wait3A_279 = tpu.memref_slice %arg4[%add3A_275, %dma_wait3A_278] : memref<100000x128xf32, #tpu.memory_space<hbm>> -> memref<128x128xf32, #tpu.memory_space<hbm>>
      tpu.wait_dma2 semaphore(%arg14 : memref<!tpu.dma_semaphore, #tpu.memory_space<semaphore_mem>>) src(%arg9 : memref<128x128xf32, #tpu.memory_space<vmem>>) dst(%dma_wait3A_279 : memref<128x128xf32, #tpu.memory_space<hbm>>)
      %add3A_280 = arith.constant 1 : i32
      %add3A_281 = arith.addi %add3A_270, %add3A_280 : i32
      %mul3A_282 = arith.constant 128 : i32
      %mul3A_283 = arith.muli %add3A_281, %mul3A_282 : i32
      %dma_start3A_284 = tpu.memref_slice %arg6[%mul3A_283] : memref<3128xi32, #tpu.memory_space<vmem>> -> memref<128xi32, #tpu.memory_space<vmem>>
      %dma_start3A_285 = arith.constant 0 : i32
      %dma_start3A_286 = arith.constant 0 : i32
      %dma_start3A_287 = tpu.memref_slice %arg5[%dma_start3A_285, %dma_start3A_286] : memref<100x128xf32, #tpu.memory_space<vmem_shared>> -> memref<100x128xf32, #tpu.memory_space<vmem_shared>>
      tpu.enqueue_indirect_dma source(%dma_start3A_287 : memref<100x128xf32, #tpu.memory_space<vmem_shared>>) target(%arg9 : memref<128x128xf32, #tpu.memory_space<vmem>>) offsets(%dma_start3A_284 : memref<128xi32, #tpu.memory_space<vmem>>) semaphore(%arg11 : memref<!tpu.dma_semaphore, #tpu.memory_space<semaphore_mem>>)
      %mul3A_288 = arith.constant 128 : i32
      %mul3A_289 = arith.muli %add3A_270, %mul3A_288 : i32
      %dma_wait3A_290 = tpu.memref_slice %arg6[%mul3A_289] : memref<3128xi32, #tpu.memory_space<vmem>> -> memref<128xi32, #tpu.memory_space<vmem>>
      %dma_wait3A_291 = arith.constant 0 : i32
      %dma_wait3A_292 = arith.constant 0 : i32
      %dma_wait3A_293 = tpu.memref_slice %arg5[%dma_wait3A_291, %dma_wait3A_292] : memref<100x128xf32, #tpu.memory_space<vmem_shared>> -> memref<100x128xf32, #tpu.memory_space<vmem_shared>>
      tpu.wait_indirect_dma semaphore(%arg11 : memref<!tpu.dma_semaphore, #tpu.memory_space<semaphore_mem>>) src(%dma_wait3A_293 : memref<100x128xf32, #tpu.memory_space<vmem_shared>>) dst(%arg8 : memref<128x128xf32, #tpu.memory_space<vmem>>)
      %mul3A_294 = arith.constant 128 : i32
      %mul3A_295 = arith.muli %add3A_270, %mul3A_294 : i32
      %add3A_296 = arith.addi %add3A_6, %mul3A_295 : i32
      %dma_start3A_297 = arith.constant 0 : i32
      %dma_start3A_298 = tpu.memref_slice %arg4[%add3A_296, %dma_start3A_297] : memref<100000x128xf32, #tpu.memory_space<hbm>> -> memref<128x128xf32, #tpu.memory_space<hbm>>
      %dma_start3A_299 = arith.constant 0 : i32
      %dma_start3A_300 = tpu.memref_slice %arg4[%add3A_296, %dma_start3A_299] : memref<100000x128xf32, #tpu.memory_space<hbm>> -> memref<128x128xf32, #tpu.memory_space<hbm>>
      tpu.enqueue_dma source(%arg8 : memref<128x128xf32, #tpu.memory_space<vmem>>) target(%dma_start3A_300 : memref<128x128xf32, #tpu.memory_space<hbm>>) target_semaphore(%arg13 : memref<!tpu.dma_semaphore, #tpu.memory_space<semaphore_mem>>)
      %mul3A_301 = arith.constant 4 : i32
      %mul3A_302 = arith.muli %scan3A_233, %mul3A_301 : i32
      %add3A_303 = arith.constant 2 : i32
      %add3A_304 = arith.addi %mul3A_302, %add3A_303 : i32
      %sub3A_305 = arith.constant 3 : i32
      %sub3A_306 = arith.subi %add3A_304, %sub3A_305 : i32
      %mul3A_307 = arith.constant 128 : i32
      %mul3A_308 = arith.muli %sub3A_306, %mul3A_307 : i32
      %add3A_309 = arith.addi %add3A_6, %mul3A_308 : i32
      %dma_wait3A_310 = arith.constant 0 : i32
      %dma_wait3A_311 = tpu.memref_slice %arg4[%add3A_309, %dma_wait3A_310] : memref<100000x128xf32, #tpu.memory_space<hbm>> -> memref<128x128xf32, #tpu.memory_space<hbm>>
      %dma_wait3A_312 = arith.constant 0 : i32
      %dma_wait3A_313 = tpu.memref_slice %arg4[%add3A_309, %dma_wait3A_312] : memref<100000x128xf32, #tpu.memory_space<hbm>> -> memref<128x128xf32, #tpu.memory_space<hbm>>
      tpu.wait_dma2 semaphore(%arg15 : memref<!tpu.dma_semaphore, #tpu.memory_space<semaphore_mem>>) src(%arg10 : memref<128x128xf32, #tpu.memory_space<vmem>>) dst(%dma_wait3A_313 : memref<128x128xf32, #tpu.memory_space<hbm>>)
      %add3A_314 = arith.constant 1 : i32
      %add3A_315 = arith.addi %add3A_304, %add3A_314 : i32
      %mul3A_316 = arith.constant 128 : i32
      %mul3A_317 = arith.muli %add3A_315, %mul3A_316 : i32
      %dma_start3A_318 = tpu.memref_slice %arg6[%mul3A_317] : memref<3128xi32, #tpu.memory_space<vmem>> -> memref<128xi32, #tpu.memory_space<vmem>>
      %dma_start3A_319 = arith.constant 0 : i32
      %dma_start3A_320 = arith.constant 0 : i32
      %dma_start3A_321 = tpu.memref_slice %arg5[%dma_start3A_319, %dma_start3A_320] : memref<100x128xf32, #tpu.memory_space<vmem_shared>> -> memref<100x128xf32, #tpu.memory_space<vmem_shared>>
      tpu.enqueue_indirect_dma source(%dma_start3A_321 : memref<100x128xf32, #tpu.memory_space<vmem_shared>>) target(%arg10 : memref<128x128xf32, #tpu.memory_space<vmem>>) offsets(%dma_start3A_318 : memref<128xi32, #tpu.memory_space<vmem>>) semaphore(%arg11 : memref<!tpu.dma_semaphore, #tpu.memory_space<semaphore_mem>>)
      %mul3A_322 = arith.constant 128 : i32
      %mul3A_323 = arith.muli %add3A_304, %mul3A_322 : i32
      %dma_wait3A_324 = tpu.memref_slice %arg6[%mul3A_323] : memref<3128xi32, #tpu.memory_space<vmem>> -> memref<128xi32, #tpu.memory_space<vmem>>
      %dma_wait3A_325 = arith.constant 0 : i32
      %dma_wait3A_326 = arith.constant 0 : i32
      %dma_wait3A_327 = tpu.memref_slice %arg5[%dma_wait3A_325, %dma_wait3A_326] : memref<100x128xf32, #tpu.memory_space<vmem_shared>> -> memref<100x128xf32, #tpu.memory_space<vmem_shared>>
      tpu.wait_indirect_dma semaphore(%arg11 : memref<!tpu.dma_semaphore, #tpu.memory_space<semaphore_mem>>) src(%dma_wait3A_327 : memref<100x128xf32, #tpu.memory_space<vmem_shared>>) dst(%arg9 : memref<128x128xf32, #tpu.memory_space<vmem>>)
      %mul3A_328 = arith.constant 128 : i32
      %mul3A_329 = arith.muli %add3A_304, %mul3A_328 : i32
      %add3A_330 = arith.addi %add3A_6, %mul3A_329 : i32
      %dma_start3A_331 = arith.constant 0 : i32
      %dma_start3A_332 = tpu.memref_slice %arg4[%add3A_330, %dma_start3A_331] : memref<100000x128xf32, #tpu.memory_space<hbm>> -> memref<128x128xf32, #tpu.memory_space<hbm>>
      %dma_start3A_333 = arith.constant 0 : i32
      %dma_start3A_334 = tpu.memref_slice %arg4[%add3A_330, %dma_start3A_333] : memref<100000x128xf32, #tpu.memory_space<hbm>> -> memref<128x128xf32, #tpu.memory_space<hbm>>
      tpu.enqueue_dma source(%arg9 : memref<128x128xf32, #tpu.memory_space<vmem>>) target(%dma_start3A_334 : memref<128x128xf32, #tpu.memory_space<hbm>>) target_semaphore(%arg14 : memref<!tpu.dma_semaphore, #tpu.memory_space<semaphore_mem>>)
      %mul3A_335 = arith.constant 4 : i32
      %mul3A_336 = arith.muli %scan3A_233, %mul3A_335 : i32
      %add3A_337 = arith.constant 3 : i32
      %add3A_338 = arith.addi %mul3A_336, %add3A_337 : i32
      %sub3A_339 = arith.constant 3 : i32
      %sub3A_340 = arith.subi %add3A_338, %sub3A_339 : i32
      %mul3A_341 = arith.constant 128 : i32
      %mul3A_342 = arith.muli %sub3A_340, %mul3A_341 : i32
      %add3A_343 = arith.addi %add3A_6, %mul3A_342 : i32
      %dma_wait3A_344 = arith.constant 0 : i32
      %dma_wait3A_345 = tpu.memref_slice %arg4[%add3A_343, %dma_wait3A_344] : memref<100000x128xf32, #tpu.memory_space<hbm>> -> memref<128x128xf32, #tpu.memory_space<hbm>>
      %dma_wait3A_346 = arith.constant 0 : i32
      %dma_wait3A_347 = tpu.memref_slice %arg4[%add3A_343, %dma_wait3A_346] : memref<100000x128xf32, #tpu.memory_space<hbm>> -> memref<128x128xf32, #tpu.memory_space<hbm>>
      tpu.wait_dma2 semaphore(%arg12 : memref<!tpu.dma_semaphore, #tpu.memory_space<semaphore_mem>>) src(%arg7 : memref<128x128xf32, #tpu.memory_space<vmem>>) dst(%dma_wait3A_347 : memref<128x128xf32, #tpu.memory_space<hbm>>)
      %add3A_348 = arith.constant 1 : i32
      %add3A_349 = arith.addi %add3A_338, %add3A_348 : i32
      %mul3A_350 = arith.constant 128 : i32
      %mul3A_351 = arith.muli %add3A_349, %mul3A_350 : i32
      %dma_start3A_352 = tpu.memref_slice %arg6[%mul3A_351] : memref<3128xi32, #tpu.memory_space<vmem>> -> memref<128xi32, #tpu.memory_space<vmem>>
      %dma_start3A_353 = arith.constant 0 : i32
      %dma_start3A_354 = arith.constant 0 : i32
      %dma_start3A_355 = tpu.memref_slice %arg5[%dma_start3A_353, %dma_start3A_354] : memref<100x128xf32, #tpu.memory_space<vmem_shared>> -> memref<100x128xf32, #tpu.memory_space<vmem_shared>>
      tpu.enqueue_indirect_dma source(%dma_start3A_355 : memref<100x128xf32, #tpu.memory_space<vmem_shared>>) target(%arg7 : memref<128x128xf32, #tpu.memory_space<vmem>>) offsets(%dma_start3A_352 : memref<128xi32, #tpu.memory_space<vmem>>) semaphore(%arg11 : memref<!tpu.dma_semaphore, #tpu.memory_space<semaphore_mem>>)
      %mul3A_356 = arith.constant 128 : i32
      %mul3A_357 = arith.muli %add3A_338, %mul3A_356 : i32
      %dma_wait3A_358 = tpu.memref_slice %arg6[%mul3A_357] : memref<3128xi32, #tpu.memory_space<vmem>> -> memref<128xi32, #tpu.memory_space<vmem>>
      %dma_wait3A_359 = arith.constant 0 : i32
      %dma_wait3A_360 = arith.constant 0 : i32
      %dma_wait3A_361 = tpu.memref_slice %arg5[%dma_wait3A_359, %dma_wait3A_360] : memref<100x128xf32, #tpu.memory_space<vmem_shared>> -> memref<100x128xf32, #tpu.memory_space<vmem_shared>>
      tpu.wait_indirect_dma semaphore(%arg11 : memref<!tpu.dma_semaphore, #tpu.memory_space<semaphore_mem>>) src(%dma_wait3A_361 : memref<100x128xf32, #tpu.memory_space<vmem_shared>>) dst(%arg10 : memref<128x128xf32, #tpu.memory_space<vmem>>)
      %mul3A_362 = arith.constant 128 : i32
      %mul3A_363 = arith.muli %add3A_338, %mul3A_362 : i32
      %add3A_364 = arith.addi %add3A_6, %mul3A_363 : i32
      %dma_start3A_365 = arith.constant 0 : i32
      %dma_start3A_366 = tpu.memref_slice %arg4[%add3A_364, %dma_start3A_365] : memref<100000x128xf32, #tpu.memory_space<hbm>> -> memref<128x128xf32, #tpu.memory_space<hbm>>
      %dma_start3A_367 = arith.constant 0 : i32
      %dma_start3A_368 = tpu.memref_slice %arg4[%add3A_364, %dma_start3A_367] : memref<100000x128xf32, #tpu.memory_space<hbm>> -> memref<128x128xf32, #tpu.memory_space<hbm>>
      tpu.enqueue_dma source(%arg10 : memref<128x128xf32, #tpu.memory_space<vmem>>) target(%dma_start3A_368 : memref<128x128xf32, #tpu.memory_space<hbm>>) target_semaphore(%arg15 : memref<!tpu.dma_semaphore, #tpu.memory_space<semaphore_mem>>)
    }
    %scan3A_99 = arith.constant 4 : i32
    %add3A_100 = arith.constant 2176 : i32
    %add3A_101 = arith.addi %add3A_6, %add3A_100 : i32
    %dma_wait3A_102 = arith.constant 0 : i32
    %dma_wait3A_103 = tpu.memref_slice %arg4[%add3A_101, %dma_wait3A_102] : memref<100000x128xf32, #tpu.memory_space<hbm>> -> memref<128x128xf32, #tpu.memory_space<hbm>>
    %dma_wait3A_104 = arith.constant 0 : i32
    %dma_wait3A_105 = tpu.memref_slice %arg4[%add3A_101, %dma_wait3A_104] : memref<100000x128xf32, #tpu.memory_space<hbm>> -> memref<128x128xf32, #tpu.memory_space<hbm>>
    tpu.wait_dma2 semaphore(%arg13 : memref<!tpu.dma_semaphore, #tpu.memory_space<semaphore_mem>>) src(%arg8 : memref<128x128xf32, #tpu.memory_space<vmem>>) dst(%dma_wait3A_105 : memref<128x128xf32, #tpu.memory_space<hbm>>)
    %dma_start3A_106 = arith.constant 2688 : i32
    %dma_start3A_107 = tpu.memref_slice %arg6[%dma_start3A_106] : memref<3128xi32, #tpu.memory_space<vmem>> -> memref<128xi32, #tpu.memory_space<vmem>>
    %dma_start3A_108 = arith.constant 0 : i32
    %dma_start3A_109 = arith.constant 0 : i32
    %dma_start3A_110 = tpu.memref_slice %arg5[%dma_start3A_108, %dma_start3A_109] : memref<100x128xf32, #tpu.memory_space<vmem_shared>> -> memref<100x128xf32, #tpu.memory_space<vmem_shared>>
    tpu.enqueue_indirect_dma source(%dma_start3A_110 : memref<100x128xf32, #tpu.memory_space<vmem_shared>>) target(%arg8 : memref<128x128xf32, #tpu.memory_space<vmem>>) offsets(%dma_start3A_107 : memref<128xi32, #tpu.memory_space<vmem>>) semaphore(%arg11 : memref<!tpu.dma_semaphore, #tpu.memory_space<semaphore_mem>>)
    %dma_wait3A_111 = arith.constant 2560 : i32
    %dma_wait3A_112 = tpu.memref_slice %arg6[%dma_wait3A_111] : memref<3128xi32, #tpu.memory_space<vmem>> -> memref<128xi32, #tpu.memory_space<vmem>>
    %dma_wait3A_113 = arith.constant 0 : i32
    %dma_wait3A_114 = arith.constant 0 : i32
    %dma_wait3A_115 = tpu.memref_slice %arg5[%dma_wait3A_113, %dma_wait3A_114] : memref<100x128xf32, #tpu.memory_space<vmem_shared>> -> memref<100x128xf32, #tpu.memory_space<vmem_shared>>
    tpu.wait_indirect_dma semaphore(%arg11 : memref<!tpu.dma_semaphore, #tpu.memory_space<semaphore_mem>>) src(%dma_wait3A_115 : memref<100x128xf32, #tpu.memory_space<vmem_shared>>) dst(%arg7 : memref<128x128xf32, #tpu.memory_space<vmem>>)
    %add3A_116 = arith.constant 2560 : i32
    %add3A_117 = arith.addi %add3A_6, %add3A_116 : i32
    %dma_start3A_118 = arith.constant 0 : i32
    %dma_start3A_119 = tpu.memref_slice %arg4[%add3A_117, %dma_start3A_118] : memref<100000x128xf32, #tpu.memory_space<hbm>> -> memref<128x128xf32, #tpu.memory_space<hbm>>
    %dma_start3A_120 = arith.constant 0 : i32
    %dma_start3A_121 = tpu.memref_slice %arg4[%add3A_117, %dma_start3A_120] : memref<100000x128xf32, #tpu.memory_space<hbm>> -> memref<128x128xf32, #tpu.memory_space<hbm>>
    tpu.enqueue_dma source(%arg7 : memref<128x128xf32, #tpu.memory_space<vmem>>) target(%dma_start3A_121 : memref<128x128xf32, #tpu.memory_space<hbm>>) target_semaphore(%arg12 : memref<!tpu.dma_semaphore, #tpu.memory_space<semaphore_mem>>)
    %add3A_122 = arith.constant 2304 : i32
    %add3A_123 = arith.addi %add3A_6, %add3A_122 : i32
    %dma_wait3A_124 = arith.constant 0 : i32
    %dma_wait3A_125 = tpu.memref_slice %arg4[%add3A_123, %dma_wait3A_124] : memref<100000x128xf32, #tpu.memory_space<hbm>> -> memref<128x128xf32, #tpu.memory_space<hbm>>
    %dma_wait3A_126 = arith.constant 0 : i32
    %dma_wait3A_127 = tpu.memref_slice %arg4[%add3A_123, %dma_wait3A_126] : memref<100000x128xf32, #tpu.memory_space<hbm>> -> memref<128x128xf32, #tpu.memory_space<hbm>>
    tpu.wait_dma2 semaphore(%arg14 : memref<!tpu.dma_semaphore, #tpu.memory_space<semaphore_mem>>) src(%arg9 : memref<128x128xf32, #tpu.memory_space<vmem>>) dst(%dma_wait3A_127 : memref<128x128xf32, #tpu.memory_space<hbm>>)
    %dma_start3A_128 = arith.constant 2816 : i32
    %dma_start3A_129 = tpu.memref_slice %arg6[%dma_start3A_128] : memref<3128xi32, #tpu.memory_space<vmem>> -> memref<128xi32, #tpu.memory_space<vmem>>
    %dma_start3A_130 = arith.constant 0 : i32
    %dma_start3A_131 = arith.constant 0 : i32
    %dma_start3A_132 = tpu.memref_slice %arg5[%dma_start3A_130, %dma_start3A_131] : memref<100x128xf32, #tpu.memory_space<vmem_shared>> -> memref<100x128xf32, #tpu.memory_space<vmem_shared>>
    tpu.enqueue_indirect_dma source(%dma_start3A_132 : memref<100x128xf32, #tpu.memory_space<vmem_shared>>) target(%arg9 : memref<128x128xf32, #tpu.memory_space<vmem>>) offsets(%dma_start3A_129 : memref<128xi32, #tpu.memory_space<vmem>>) semaphore(%arg11 : memref<!tpu.dma_semaphore, #tpu.memory_space<semaphore_mem>>)
    %dma_wait3A_133 = arith.constant 2688 : i32
    %dma_wait3A_134 = tpu.memref_slice %arg6[%dma_wait3A_133] : memref<3128xi32, #tpu.memory_space<vmem>> -> memref<128xi32, #tpu.memory_space<vmem>>
    %dma_wait3A_135 = arith.constant 0 : i32
    %dma_wait3A_136 = arith.constant 0 : i32
    %dma_wait3A_137 = tpu.memref_slice %arg5[%dma_wait3A_135, %dma_wait3A_136] : memref<100x128xf32, #tpu.memory_space<vmem_shared>> -> memref<100x128xf32, #tpu.memory_space<vmem_shared>>
    tpu.wait_indirect_dma semaphore(%arg11 : memref<!tpu.dma_semaphore, #tpu.memory_space<semaphore_mem>>) src(%dma_wait3A_137 : memref<100x128xf32, #tpu.memory_space<vmem_shared>>) dst(%arg8 : memref<128x128xf32, #tpu.memory_space<vmem>>)
    %add3A_138 = arith.constant 2688 : i32
    %add3A_139 = arith.addi %add3A_6, %add3A_138 : i32
    %dma_start3A_140 = arith.constant 0 : i32
    %dma_start3A_141 = tpu.memref_slice %arg4[%add3A_139, %dma_start3A_140] : memref<100000x128xf32, #tpu.memory_space<hbm>> -> memref<128x128xf32, #tpu.memory_space<hbm>>
    %dma_start3A_142 = arith.constant 0 : i32
    %dma_start3A_143 = tpu.memref_slice %arg4[%add3A_139, %dma_start3A_142] : memref<100000x128xf32, #tpu.memory_space<hbm>> -> memref<128x128xf32, #tpu.memory_space<hbm>>
    tpu.enqueue_dma source(%arg8 : memref<128x128xf32, #tpu.memory_space<vmem>>) target(%dma_start3A_143 : memref<128x128xf32, #tpu.memory_space<hbm>>) target_semaphore(%arg13 : memref<!tpu.dma_semaphore, #tpu.memory_space<semaphore_mem>>)
    %add3A_144 = arith.constant 2432 : i32
    %add3A_145 = arith.addi %add3A_6, %add3A_144 : i32
    %dma_wait3A_146 = arith.constant 0 : i32
    %dma_wait3A_147 = tpu.memref_slice %arg4[%add3A_145, %dma_wait3A_146] : memref<100000x128xf32, #tpu.memory_space<hbm>> -> memref<128x128xf32, #tpu.memory_space<hbm>>
    %dma_wait3A_148 = arith.constant 0 : i32
    %dma_wait3A_149 = tpu.memref_slice %arg4[%add3A_145, %dma_wait3A_148] : memref<100000x128xf32, #tpu.memory_space<hbm>> -> memref<128x128xf32, #tpu.memory_space<hbm>>
    tpu.wait_dma2 semaphore(%arg15 : memref<!tpu.dma_semaphore, #tpu.memory_space<semaphore_mem>>) src(%arg10 : memref<128x128xf32, #tpu.memory_space<vmem>>) dst(%dma_wait3A_149 : memref<128x128xf32, #tpu.memory_space<hbm>>)
    %dma_start3A_150 = arith.constant 2944 : i32
    %dma_start3A_151 = tpu.memref_slice %arg6[%dma_start3A_150] : memref<3128xi32, #tpu.memory_space<vmem>> -> memref<128xi32, #tpu.memory_space<vmem>>
    %dma_start3A_152 = arith.constant 0 : i32
    %dma_start3A_153 = arith.constant 0 : i32
    %dma_start3A_154 = tpu.memref_slice %arg5[%dma_start3A_152, %dma_start3A_153] : memref<100x128xf32, #tpu.memory_space<vmem_shared>> -> memref<100x128xf32, #tpu.memory_space<vmem_shared>>
    tpu.enqueue_indirect_dma source(%dma_start3A_154 : memref<100x128xf32, #tpu.memory_space<vmem_shared>>) target(%arg10 : memref<128x128xf32, #tpu.memory_space<vmem>>) offsets(%dma_start3A_151 : memref<128xi32, #tpu.memory_space<vmem>>) semaphore(%arg11 : memref<!tpu.dma_semaphore, #tpu.memory_space<semaphore_mem>>)
    %dma_wait3A_155 = arith.constant 2816 : i32
    %dma_wait3A_156 = tpu.memref_slice %arg6[%dma_wait3A_155] : memref<3128xi32, #tpu.memory_space<vmem>> -> memref<128xi32, #tpu.memory_space<vmem>>
    %dma_wait3A_157 = arith.constant 0 : i32
    %dma_wait3A_158 = arith.constant 0 : i32
    %dma_wait3A_159 = tpu.memref_slice %arg5[%dma_wait3A_157, %dma_wait3A_158] : memref<100x128xf32, #tpu.memory_space<vmem_shared>> -> memref<100x128xf32, #tpu.memory_space<vmem_shared>>
    tpu.wait_indirect_dma semaphore(%arg11 : memref<!tpu.dma_semaphore, #tpu.memory_space<semaphore_mem>>) src(%dma_wait3A_159 : memref<100x128xf32, #tpu.memory_space<vmem_shared>>) dst(%arg9 : memref<128x128xf32, #tpu.memory_space<vmem>>)
    %add3A_160 = arith.constant 2816 : i32
    %add3A_161 = arith.addi %add3A_6, %add3A_160 : i32
    %dma_start3A_162 = arith.constant 0 : i32
    %dma_start3A_163 = tpu.memref_slice %arg4[%add3A_161, %dma_start3A_162] : memref<100000x128xf32, #tpu.memory_space<hbm>> -> memref<128x128xf32, #tpu.memory_space<hbm>>
    %dma_start3A_164 = arith.constant 0 : i32
    %dma_start3A_165 = tpu.memref_slice %arg4[%add3A_161, %dma_start3A_164] : memref<100000x128xf32, #tpu.memory_space<hbm>> -> memref<128x128xf32, #tpu.memory_space<hbm>>
    tpu.enqueue_dma source(%arg9 : memref<128x128xf32, #tpu.memory_space<vmem>>) target(%dma_start3A_165 : memref<128x128xf32, #tpu.memory_space<hbm>>) target_semaphore(%arg14 : memref<!tpu.dma_semaphore, #tpu.memory_space<semaphore_mem>>)
    %add3A_166 = arith.constant 2560 : i32
    %add3A_167 = arith.addi %add3A_6, %add3A_166 : i32
    %dma_wait3A_168 = arith.constant 0 : i32
    %dma_wait3A_169 = tpu.memref_slice %arg4[%add3A_167, %dma_wait3A_168] : memref<100000x128xf32, #tpu.memory_space<hbm>> -> memref<128x128xf32, #tpu.memory_space<hbm>>
    %dma_wait3A_170 = arith.constant 0 : i32
    %dma_wait3A_171 = tpu.memref_slice %arg4[%add3A_167, %dma_wait3A_170] : memref<100000x128xf32, #tpu.memory_space<hbm>> -> memref<128x128xf32, #tpu.memory_space<hbm>>
    tpu.wait_dma2 semaphore(%arg12 : memref<!tpu.dma_semaphore, #tpu.memory_space<semaphore_mem>>) src(%arg7 : memref<128x128xf32, #tpu.memory_space<vmem>>) dst(%dma_wait3A_171 : memref<128x128xf32, #tpu.memory_space<hbm>>)
    %convert_element_type3A_172 = arith.extui %lt3A_7 : i1 to i32
    %cond3A_173 = arith.constant 0 : i32
    %cond3A_174 = arith.cmpi ne, %convert_element_type3A_172, %cond3A_173 : i32
    scf.if %cond3A_174 {
      %dma_start3A_233 = arith.constant 0 : i32
      %dma_start3A_234 = arith.constant 0 : i32
      %dma_start3A_235 = tpu.memref_slice %arg7[%dma_start3A_233, %dma_start3A_234] : memref<128x128xf32, #tpu.memory_space<vmem>> -> memref<56x128xf32, #tpu.memory_space<vmem>>
      %dma_start3A_236 = arith.constant 3072 : i32
      %dma_start3A_237 = tpu.memref_slice %arg6[%dma_start3A_236] : memref<3128xi32, #tpu.memory_space<vmem>> -> memref<56xi32, #tpu.memory_space<vmem>>
      %dma_start3A_238 = arith.constant 0 : i32
      %dma_start3A_239 = arith.constant 0 : i32
      %dma_start3A_240 = tpu.memref_slice %arg5[%dma_start3A_238, %dma_start3A_239] : memref<100x128xf32, #tpu.memory_space<vmem_shared>> -> memref<100x128xf32, #tpu.memory_space<vmem_shared>>
      tpu.enqueue_indirect_dma source(%dma_start3A_240 : memref<100x128xf32, #tpu.memory_space<vmem_shared>>) target(%dma_start3A_235 : memref<56x128xf32, #tpu.memory_space<vmem>>) offsets(%dma_start3A_237 : memref<56xi32, #tpu.memory_space<vmem>>) semaphore(%arg11 : memref<!tpu.dma_semaphore, #tpu.memory_space<semaphore_mem>>)
    } else {
    }
    %not3A_175 = arith.constant true
    %not3A_176 = arith.xori %lt3A_7, %not3A_175 : i1
    %convert_element_type3A_177 = arith.extui %not3A_176 : i1 to i32
    %cond3A_178 = arith.constant 0 : i32
    %cond3A_179 = arith.cmpi ne, %convert_element_type3A_177, %cond3A_178 : i32
    scf.if %cond3A_179 {
      %dma_start3A_233 = arith.constant 0 : i32
      %dma_start3A_234 = arith.constant 0 : i32
      %dma_start3A_235 = tpu.memref_slice %arg7[%dma_start3A_233, %dma_start3A_234] : memref<128x128xf32, #tpu.memory_space<vmem>> -> memref<48x128xf32, #tpu.memory_space<vmem>>
      %dma_start3A_236 = arith.constant 3072 : i32
      %dma_start3A_237 = tpu.memref_slice %arg6[%dma_start3A_236] : memref<3128xi32, #tpu.memory_space<vmem>> -> memref<48xi32, #tpu.memory_space<vmem>>
      %dma_start3A_238 = arith.constant 0 : i32
      %dma_start3A_239 = arith.constant 0 : i32
      %dma_start3A_240 = tpu.memref_slice %arg5[%dma_start3A_238, %dma_start3A_239] : memref<100x128xf32, #tpu.memory_space<vmem_shared>> -> memref<100x128xf32, #tpu.memory_space<vmem_shared>>
      tpu.enqueue_indirect_dma source(%dma_start3A_240 : memref<100x128xf32, #tpu.memory_space<vmem_shared>>) target(%dma_start3A_235 : memref<48x128xf32, #tpu.memory_space<vmem>>) offsets(%dma_start3A_237 : memref<48xi32, #tpu.memory_space<vmem>>) semaphore(%arg11 : memref<!tpu.dma_semaphore, #tpu.memory_space<semaphore_mem>>)
    } else {
    }
    %dma_wait3A_180 = arith.constant 2944 : i32
    %dma_wait3A_181 = tpu.memref_slice %arg6[%dma_wait3A_180] : memref<3128xi32, #tpu.memory_space<vmem>> -> memref<128xi32, #tpu.memory_space<vmem>>
    %dma_wait3A_182 = arith.constant 0 : i32
    %dma_wait3A_183 = arith.constant 0 : i32
    %dma_wait3A_184 = tpu.memref_slice %arg5[%dma_wait3A_182, %dma_wait3A_183] : memref<100x128xf32, #tpu.memory_space<vmem_shared>> -> memref<100x128xf32, #tpu.memory_space<vmem_shared>>
    tpu.wait_indirect_dma semaphore(%arg11 : memref<!tpu.dma_semaphore, #tpu.memory_space<semaphore_mem>>) src(%dma_wait3A_184 : memref<100x128xf32, #tpu.memory_space<vmem_shared>>) dst(%arg10 : memref<128x128xf32, #tpu.memory_space<vmem>>)
    %add3A_185 = arith.constant 2944 : i32
    %add3A_186 = arith.addi %add3A_6, %add3A_185 : i32
    %dma_start3A_187 = arith.constant 0 : i32
    %dma_start3A_188 = tpu.memref_slice %arg4[%add3A_186, %dma_start3A_187] : memref<100000x128xf32, #tpu.memory_space<hbm>> -> memref<128x128xf32, #tpu.memory_space<hbm>>
    %dma_start3A_189 = arith.constant 0 : i32
    %dma_start3A_190 = tpu.memref_slice %arg4[%add3A_186, %dma_start3A_189] : memref<100000x128xf32, #tpu.memory_space<hbm>> -> memref<128x128xf32, #tpu.memory_space<hbm>>
    tpu.enqueue_dma source(%arg10 : memref<128x128xf32, #tpu.memory_space<vmem>>) target(%dma_start3A_190 : memref<128x128xf32, #tpu.memory_space<hbm>>) target_semaphore(%arg15 : memref<!tpu.dma_semaphore, #tpu.memory_space<semaphore_mem>>)
    %convert_element_type3A_191 = arith.extui %lt3A_7 : i1 to i32
    %cond3A_192 = arith.constant 0 : i32
    %cond3A_193 = arith.cmpi ne, %convert_element_type3A_191, %cond3A_192 : i32
    scf.if %cond3A_193 {
      %dma_wait3A_233 = arith.constant 0 : i32
      %dma_wait3A_234 = arith.constant 0 : i32
      %dma_wait3A_235 = tpu.memref_slice %arg7[%dma_wait3A_233, %dma_wait3A_234] : memref<128x128xf32, #tpu.memory_space<vmem>> -> memref<56x128xf32, #tpu.memory_space<vmem>>
      %dma_wait3A_236 = arith.constant 3072 : i32
      %dma_wait3A_237 = tpu.memref_slice %arg6[%dma_wait3A_236] : memref<3128xi32, #tpu.memory_space<vmem>> -> memref<56xi32, #tpu.memory_space<vmem>>
      %dma_wait3A_238 = arith.constant 0 : i32
      %dma_wait3A_239 = arith.constant 0 : i32
      %dma_wait3A_240 = tpu.memref_slice %arg5[%dma_wait3A_238, %dma_wait3A_239] : memref<100x128xf32, #tpu.memory_space<vmem_shared>> -> memref<100x128xf32, #tpu.memory_space<vmem_shared>>
      tpu.wait_indirect_dma semaphore(%arg11 : memref<!tpu.dma_semaphore, #tpu.memory_space<semaphore_mem>>) src(%dma_wait3A_240 : memref<100x128xf32, #tpu.memory_space<vmem_shared>>) dst(%dma_wait3A_235 : memref<56x128xf32, #tpu.memory_space<vmem>>)
    } else {
    }
    %not3A_194 = arith.constant true
    %not3A_195 = arith.xori %lt3A_7, %not3A_194 : i1
    %convert_element_type3A_196 = arith.extui %not3A_195 : i1 to i32
    %cond3A_197 = arith.constant 0 : i32
    %cond3A_198 = arith.cmpi ne, %convert_element_type3A_196, %cond3A_197 : i32
    scf.if %cond3A_198 {
      %dma_wait3A_233 = arith.constant 0 : i32
      %dma_wait3A_234 = arith.constant 0 : i32
      %dma_wait3A_235 = tpu.memref_slice %arg7[%dma_wait3A_233, %dma_wait3A_234] : memref<128x128xf32, #tpu.memory_space<vmem>> -> memref<48x128xf32, #tpu.memory_space<vmem>>
      %dma_wait3A_236 = arith.constant 3072 : i32
      %dma_wait3A_237 = tpu.memref_slice %arg6[%dma_wait3A_236] : memref<3128xi32, #tpu.memory_space<vmem>> -> memref<48xi32, #tpu.memory_space<vmem>>
      %dma_wait3A_238 = arith.constant 0 : i32
      %dma_wait3A_239 = arith.constant 0 : i32
      %dma_wait3A_240 = tpu.memref_slice %arg5[%dma_wait3A_238, %dma_wait3A_239] : memref<100x128xf32, #tpu.memory_space<vmem_shared>> -> memref<100x128xf32, #tpu.memory_space<vmem_shared>>
      tpu.wait_indirect_dma semaphore(%arg11 : memref<!tpu.dma_semaphore, #tpu.memory_space<semaphore_mem>>) src(%dma_wait3A_240 : memref<100x128xf32, #tpu.memory_space<vmem_shared>>) dst(%dma_wait3A_235 : memref<48x128xf32, #tpu.memory_space<vmem>>)
    } else {
    }
    %convert_element_type3A_199 = arith.extui %lt3A_7 : i1 to i32
    %cond3A_200 = arith.constant 0 : i32
    %cond3A_201 = arith.cmpi ne, %convert_element_type3A_199, %cond3A_200 : i32
    scf.if %cond3A_201 {
      %add3A_233 = arith.constant 3072 : i32
      %add3A_234 = arith.addi %add3A_6, %add3A_233 : i32
      %dma_start3A_235 = arith.constant 0 : i32
      %dma_start3A_236 = arith.constant 0 : i32
      %dma_start3A_237 = tpu.memref_slice %arg7[%dma_start3A_235, %dma_start3A_236] : memref<128x128xf32, #tpu.memory_space<vmem>> -> memref<56x128xf32, #tpu.memory_space<vmem>>
      %dma_start3A_238 = arith.constant 0 : i32
      %dma_start3A_239 = tpu.memref_slice %arg4[%add3A_234, %dma_start3A_238] : memref<100000x128xf32, #tpu.memory_space<hbm>> -> memref<56x128xf32, #tpu.memory_space<hbm>>
      %dma_start3A_240 = arith.constant 0 : i32
      %dma_start3A_241 = tpu.memref_slice %arg4[%add3A_234, %dma_start3A_240] : memref<100000x128xf32, #tpu.memory_space<hbm>> -> memref<56x128xf32, #tpu.memory_space<hbm>>
      %dma_start3A_242 = arith.constant 0 : i32
      %dma_start3A_243 = arith.constant 0 : i32
      %dma_start3A_244 = tpu.memref_slice %arg7[%dma_start3A_242, %dma_start3A_243] : memref<128x128xf32, #tpu.memory_space<vmem>> -> memref<56x128xf32, #tpu.memory_space<vmem>>
      tpu.enqueue_dma source(%dma_start3A_244 : memref<56x128xf32, #tpu.memory_space<vmem>>) target(%dma_start3A_241 : memref<56x128xf32, #tpu.memory_space<hbm>>) target_semaphore(%arg12 : memref<!tpu.dma_semaphore, #tpu.memory_space<semaphore_mem>>)
    } else {
    }
    %not3A_202 = arith.constant true
    %not3A_203 = arith.xori %lt3A_7, %not3A_202 : i1
    %convert_element_type3A_204 = arith.extui %not3A_203 : i1 to i32
    %cond3A_205 = arith.constant 0 : i32
    %cond3A_206 = arith.cmpi ne, %convert_element_type3A_204, %cond3A_205 : i32
    scf.if %cond3A_206 {
      %add3A_233 = arith.constant 3072 : i32
      %add3A_234 = arith.addi %add3A_6, %add3A_233 : i32
      %dma_start3A_235 = arith.constant 0 : i32
      %dma_start3A_236 = arith.constant 0 : i32
      %dma_start3A_237 = tpu.memref_slice %arg7[%dma_start3A_235, %dma_start3A_236] : memref<128x128xf32, #tpu.memory_space<vmem>> -> memref<48x128xf32, #tpu.memory_space<vmem>>
      %dma_start3A_238 = arith.constant 0 : i32
      %dma_start3A_239 = tpu.memref_slice %arg4[%add3A_234, %dma_start3A_238] : memref<100000x128xf32, #tpu.memory_space<hbm>> -> memref<48x128xf32, #tpu.memory_space<hbm>>
      %dma_start3A_240 = arith.constant 0 : i32
      %dma_start3A_241 = tpu.memref_slice %arg4[%add3A_234, %dma_start3A_240] : memref<100000x128xf32, #tpu.memory_space<hbm>> -> memref<48x128xf32, #tpu.memory_space<hbm>>
      %dma_start3A_242 = arith.constant 0 : i32
      %dma_start3A_243 = arith.constant 0 : i32
      %dma_start3A_244 = tpu.memref_slice %arg7[%dma_start3A_242, %dma_start3A_243] : memref<128x128xf32, #tpu.memory_space<vmem>> -> memref<48x128xf32, #tpu.memory_space<vmem>>
      tpu.enqueue_dma source(%dma_start3A_244 : memref<48x128xf32, #tpu.memory_space<vmem>>) target(%dma_start3A_241 : memref<48x128xf32, #tpu.memory_space<hbm>>) target_semaphore(%arg12 : memref<!tpu.dma_semaphore, #tpu.memory_space<semaphore_mem>>)
    } else {
    }
    %add3A_207 = arith.constant 2688 : i32
    %add3A_208 = arith.addi %add3A_6, %add3A_207 : i32
    %dma_wait3A_209 = arith.constant 0 : i32
    %dma_wait3A_210 = tpu.memref_slice %arg4[%add3A_208, %dma_wait3A_209] : memref<100000x128xf32, #tpu.memory_space<hbm>> -> memref<128x128xf32, #tpu.memory_space<hbm>>
    %dma_wait3A_211 = arith.constant 0 : i32
    %dma_wait3A_212 = tpu.memref_slice %arg4[%add3A_208, %dma_wait3A_211] : memref<100000x128xf32, #tpu.memory_space<hbm>> -> memref<128x128xf32, #tpu.memory_space<hbm>>
    tpu.wait_dma2 semaphore(%arg13 : memref<!tpu.dma_semaphore, #tpu.memory_space<semaphore_mem>>) src(%arg8 : memref<128x128xf32, #tpu.memory_space<vmem>>) dst(%dma_wait3A_212 : memref<128x128xf32, #tpu.memory_space<hbm>>)
    %add3A_213 = arith.constant 2816 : i32
    %add3A_214 = arith.addi %add3A_6, %add3A_213 : i32
    %dma_wait3A_215 = arith.constant 0 : i32
    %dma_wait3A_216 = tpu.memref_slice %arg4[%add3A_214, %dma_wait3A_215] : memref<100000x128xf32, #tpu.memory_space<hbm>> -> memref<128x128xf32, #tpu.memory_space<hbm>>
    %dma_wait3A_217 = arith.constant 0 : i32
    %dma_wait3A_218 = tpu.memref_slice %arg4[%add3A_214, %dma_wait3A_217] : memref<100000x128xf32, #tpu.memory_space<hbm>> -> memref<128x128xf32, #tpu.memory_space<hbm>>
    tpu.wait_dma2 semaphore(%arg14 : memref<!tpu.dma_semaphore, #tpu.memory_space<semaphore_mem>>) src(%arg9 : memref<128x128xf32, #tpu.memory_space<vmem>>) dst(%dma_wait3A_218 : memref<128x128xf32, #tpu.memory_space<hbm>>)
    %add3A_219 = arith.constant 2944 : i32
    %add3A_220 = arith.addi %add3A_6, %add3A_219 : i32
    %dma_wait3A_221 = arith.constant 0 : i32
    %dma_wait3A_222 = tpu.memref_slice %arg4[%add3A_220, %dma_wait3A_221] : memref<100000x128xf32, #tpu.memory_space<hbm>> -> memref<128x128xf32, #tpu.memory_space<hbm>>
    %dma_wait3A_223 = arith.constant 0 : i32
    %dma_wait3A_224 = tpu.memref_slice %arg4[%add3A_220, %dma_wait3A_223] : memref<100000x128xf32, #tpu.memory_space<hbm>> -> memref<128x128xf32, #tpu.memory_space<hbm>>
    tpu.wait_dma2 semaphore(%arg15 : memref<!tpu.dma_semaphore, #tpu.memory_space<semaphore_mem>>) src(%arg10 : memref<128x128xf32, #tpu.memory_space<vmem>>) dst(%dma_wait3A_224 : memref<128x128xf32, #tpu.memory_space<hbm>>)
    %convert_element_type3A_225 = arith.extui %lt3A_7 : i1 to i32
    %cond3A_226 = arith.constant 0 : i32
    %cond3A_227 = arith.cmpi ne, %convert_element_type3A_225, %cond3A_226 : i32
    scf.if %cond3A_227 {
      %add3A_233 = arith.constant 3072 : i32
      %add3A_234 = arith.addi %add3A_6, %add3A_233 : i32
      %dma_wait3A_235 = arith.constant 0 : i32
      %dma_wait3A_236 = arith.constant 0 : i32
      %dma_wait3A_237 = tpu.memref_slice %arg7[%dma_wait3A_235, %dma_wait3A_236] : memref<128x128xf32, #tpu.memory_space<vmem>> -> memref<56x128xf32, #tpu.memory_space<vmem>>
      %dma_wait3A_238 = arith.constant 0 : i32
      %dma_wait3A_239 = tpu.memref_slice %arg4[%add3A_234, %dma_wait3A_238] : memref<100000x128xf32, #tpu.memory_space<hbm>> -> memref<56x128xf32, #tpu.memory_space<hbm>>
      %dma_wait3A_240 = arith.constant 0 : i32
      %dma_wait3A_241 = tpu.memref_slice %arg4[%add3A_234, %dma_wait3A_240] : memref<100000x128xf32, #tpu.memory_space<hbm>> -> memref<56x128xf32, #tpu.memory_space<hbm>>
      %dma_wait3A_242 = arith.constant 0 : i32
      %dma_wait3A_243 = arith.constant 0 : i32
      %dma_wait3A_244 = tpu.memref_slice %arg7[%dma_wait3A_242, %dma_wait3A_243] : memref<128x128xf32, #tpu.memory_space<vmem>> -> memref<56x128xf32, #tpu.memory_space<vmem>>
      tpu.wait_dma2 semaphore(%arg12 : memref<!tpu.dma_semaphore, #tpu.memory_space<semaphore_mem>>) src(%dma_wait3A_244 : memref<56x128xf32, #tpu.memory_space<vmem>>) dst(%dma_wait3A_241 : memref<56x128xf32, #tpu.memory_space<hbm>>)
    } else {
    }
    %not3A_228 = arith.constant true
    %not3A_229 = arith.xori %lt3A_7, %not3A_228 : i1
    %convert_element_type3A_230 = arith.extui %not3A_229 : i1 to i32
    %cond3A_231 = arith.constant 0 : i32
    %cond3A_232 = arith.cmpi ne, %convert_element_type3A_230, %cond3A_231 : i32
    scf.if %cond3A_232 {
      %add3A_233 = arith.constant 3072 : i32
      %add3A_234 = arith.addi %add3A_6, %add3A_233 : i32
      %dma_wait3A_235 = arith.constant 0 : i32
      %dma_wait3A_236 = arith.constant 0 : i32
      %dma_wait3A_237 = tpu.memref_slice %arg7[%dma_wait3A_235, %dma_wait3A_236] : memref<128x128xf32, #tpu.memory_space<vmem>> -> memref<48x128xf32, #tpu.memory_space<vmem>>
      %dma_wait3A_238 = arith.constant 0 : i32
      %dma_wait3A_239 = tpu.memref_slice %arg4[%add3A_234, %dma_wait3A_238] : memref<100000x128xf32, #tpu.memory_space<hbm>> -> memref<48x128xf32, #tpu.memory_space<hbm>>
      %dma_wait3A_240 = arith.constant 0 : i32
      %dma_wait3A_241 = tpu.memref_slice %arg4[%add3A_234, %dma_wait3A_240] : memref<100000x128xf32, #tpu.memory_space<hbm>> -> memref<48x128xf32, #tpu.memory_space<hbm>>
      %dma_wait3A_242 = arith.constant 0 : i32
      %dma_wait3A_243 = arith.constant 0 : i32
      %dma_wait3A_244 = tpu.memref_slice %arg7[%dma_wait3A_242, %dma_wait3A_243] : memref<128x128xf32, #tpu.memory_space<vmem>> -> memref<48x128xf32, #tpu.memory_space<vmem>>
      tpu.wait_dma2 semaphore(%arg12 : memref<!tpu.dma_semaphore, #tpu.memory_space<semaphore_mem>>) src(%dma_wait3A_244 : memref<48x128xf32, #tpu.memory_space<vmem>>) dst(%dma_wait3A_241 : memref<48x128xf32, #tpu.memory_space<hbm>>)
    } else {
    }
    return
  }
}

</mosaic_0001>

<sc_bundles>
// kernel: kernel.3.cloned.1.call-start
scs
__scs_entry_jumppad:
0x0: {  	(pc) =	sbr.rel $0x88, $3  }
0x1: {  	(tag) =	ssettag $0x0;
	lr =	simm.s32 $0x1  }
0x2: {  	[smem:$0x3F9F] =	sst lr;
	_ =	strace $0xD0000000  }
0x3: {  	_ = 	snop  }
0x4: {  	_ = 	snop  }
0x5: {  	_ = 	snop  }
0x6: {  	_ = 	snop  }
0x7: {  	_ = 	snop  }
__scs_overlays_trampoline_lowered:
0x8: {  	[smem:$0x3FAE] =	sst s0  }
0x9: {  	[smem:$0x3FAF] =	sst s1  }
0xa: {  	[smem:$0x3FB0] =	sst s2  }
0xb: {  	[smem:$0x3FB1] =	sst s3  }
0xc: {  	[smem:$0x3FB2] =	sst s4  }
0xd: {  	[smem:$0x3FB3] =	sst s5  }
0xe: {  	[smem:$0x3FB4] =	sst s6  }
0xf: {  	[smem:$0x3FB5] =	sst s7  }
0x10: {  	[smem:$0x3FB6] =	sst s8  }
0x11: {  	[smem:$0x3FB7] =	sst s9;
	s0 =	simm.s32 @!p0 $0x0  }
0x12: {  	s1 =	sld [smem:$0x3F9D];
	s0 =	simm.s32 @p0 $0x1  }
0x13: {  	[smem:$0x3FB8] =	sst s0;
	s0 =	simm.s32 @!p1 $0x0  }
0x14: {  	s2 =	sld [smem:$0x3F9C];
	s0 =	simm.s32 @p1 $0x1  }
0x15: {  	[smem:$0x3FB9] =	sst s0;
	s0 =	simm.s32 @!p2 $0x0  }
0x16: {  	s3 =	sld [smem:$0x3FDB];
	s0 =	simm.s32 @p2 $0x1  }
0x17: {  	s4 =	simm.s32 $0x1BF5;
	[smem:$0x3FBB] =	sst s0  }
0x18: {  	s0 =	sld [smem:$0x3F9E];
	_ =	swait.ge [sflag:s4], $0x0  }
0x19: {  	s7 =	sld [smem:$0x3F9F]  }
0x1a: {  	s8 =	sadd.s32 $0xFFFFE003, lr  }
0x1b: {  	s9 =	sadd.s32 $0xFFFFFEF7, lr;
	s5 =	simm.s32 $0xFFFFFFFF;
	p2 =	slt.u32 s8, $0xFFFFF086  }
0x1c: {  	p1 =	slt.u32 s9, $0xF7A;
	s5 =	simm.s32 @!p2 $0x0  }
0x1d: {  	s5 =	simm.s32 @p1 $0x1;
	p0 =	seq.s32 s7, s2  }
0x1e: {  	s7 =	smul.u32 @!p0 $0xF7A, s2;
	p2 =	seq.s32 @!p0 s5, $0x0  }
0x1f: {  	s9 =	smul.u32 $0xF7A, s1;
	s8 =	simm.s32 @!p0 $0x1BF5;
	p2 =	por !p2, p0  }
0x20: {  	[sflag:s8] =	ssyncset.s32 @!p0 $0xFFFFF086;
	s6 =	sadd.s32 @!p0 s3, s7;
	s7 =	simm.s32 @!p0 $0x108  }
0x21: {  	s3 =	sadd.s32 s3, s9;
	s6 =	sadd.s32 @!p0 $0x88, s6;
	s7 =	simm.s32 @p2 $0x1082  }
0x22: {  	[simem:s7], [sflag:s8] =	dma.local @!p0 [hbm:s6], $0xF7A  }
0x23: {  	s9 =	sor.u32 $0xD0000000, s2;
	s6 =	simm.s32 $0x108;
	_ =	swait.ge @!p0 [sflag:s8], $0x0  }
0x24: {  	s3 =	sadd.s32 $0x88, s3;
	s6 =	simm.s32 @!p1 $0x1082;
	[sflag:s4] =	ssyncset.s32 $0xFFFFF086  }
0x25: {  	[simem:s6], [sflag:s4] =	dma.local [hbm:s3], $0xF7A  }
0x26: {  	[smem:$0x3F9F] =	sst s1;
	(tag) =	ssettag s2;
	_ =	strace s9  }
0x27: {  	s1 =	sld [smem:$0x3FAF]  }
0x28: {  	s2 =	sld [smem:$0x3FB0]  }
0x29: {  	s4 =	sld [smem:$0x3FB2]  }
0x2a: {  	p0 =	seq.s32 s5, $0x0;
	s5 =	sld [smem:$0x3FB3]  }
0x2b: {  	s6 =	sld [smem:$0x3FB4]  }
0x2c: {  	s7 =	sld [smem:$0x3FB5]  }
0x2d: {  	s3 =	simm.s32 $0x108;
	s8 =	sld [smem:$0x3FB6]  }
0x2e: {  	s3 =	simm.s32 @!p0 $0x1082;
	s9 =	sld [smem:$0x3FB7]  }
0x2f: {  	lr =	sadd.s32 s0, s3;
	s0 =	sld [smem:$0x3FAE]  }
0x30: {  	s3 =	sld [smem:$0x3FB1]  }
0x31: {  	[smem:$0x3FBA] =	sst s10  }
0x32: {  	s10 =	sld [smem:$0x3FB8];
	_ =	sdelay $0x3  }
0x33: {  	p0 =	seq.s32 s10, $0x1;
	s10 =	sld [smem:$0x3FBA];
	_ =	sdelay $0x3  }
0x34: {  	[smem:$0x3FBA] =	sst s10  }
0x35: {  	s10 =	sld [smem:$0x3FB9];
	_ =	sdelay $0x3  }
0x36: {  	p1 =	seq.s32 s10, $0x1;
	s10 =	sld [smem:$0x3FBA];
	_ =	sdelay $0x3  }
0x37: {  	[smem:$0x3FBA] =	sst s10  }
0x38: {  	s10 =	sld [smem:$0x3FBB]  }
0x39: {  	_ = 	snop;
	(pc) =	sbr.ind lr, $3  }
0x3a: {  	_ = 	snop  }
0x3b: {  	_ = 	snop  }
0x3c: {  	p2 =	seq.s32 s10, $0x1;
	s10 =	sld [smem:$0x3FBA]  }
0x3d: {  	_ =	shalt  }
0x3e: {  	_ =	shalt  }
0x3f: {  	_ =	shalt  }
0x40: {  	_ =	shalt  }
0x41: {  	_ =	shalt  }
0x42: {  	_ =	shalt  }
0x43: {  	_ =	shalt  }
0x44: {  	_ =	shalt  }
0x45: {  	_ =	shalt  }
0x46: {  	_ =	shalt  }
0x47: {  	_ =	shalt  }
0x48: {  	_ =	shalt  }
0x49: {  	_ =	shalt  }
0x4a: {  	_ =	shalt  }
0x4b: {  	_ =	shalt  }
0x4c: {  	_ =	shalt  }
0x4d: {  	_ =	shalt  }
0x4e: {  	_ =	shalt  }
0x4f: {  	_ =	shalt  }
0x50: {  	_ =	shalt  }
0x51: {  	_ =	shalt  }
0x52: {  	_ =	shalt  }
0x53: {  	_ =	shalt  }
0x54: {  	_ =	shalt  }
0x55: {  	_ =	shalt  }
0x56: {  	_ =	shalt  }
0x57: {  	_ =	shalt  }
0x58: {  	_ =	shalt  }
0x59: {  	_ =	shalt  }
0x5a: {  	_ =	shalt  }
0x5b: {  	_ =	shalt  }
0x5c: {  	_ =	shalt  }
0x5d: {  	_ =	shalt  }
0x5e: {  	_ =	shalt  }
0x5f: {  	_ =	shalt  }
0x60: {  	_ =	shalt  }
0x61: {  	_ =	shalt  }
0x62: {  	_ =	shalt  }
0x63: {  	_ =	shalt  }
0x64: {  	_ =	shalt  }
0x65: {  	_ =	shalt  }
0x66: {  	_ =	shalt  }
0x67: {  	_ =	shalt  }
0x68: {  	_ =	shalt  }
0x69: {  	_ =	shalt  }
0x6a: {  	_ =	shalt  }
0x6b: {  	_ =	shalt  }
0x6c: {  	_ =	shalt  }
0x6d: {  	_ =	shalt  }
0x6e: {  	_ =	shalt  }
0x6f: {  	_ =	shalt  }
0x70: {  	_ =	shalt  }
0x71: {  	_ =	shalt  }
0x72: {  	_ =	shalt  }
0x73: {  	_ =	shalt  }
0x74: {  	_ =	shalt  }
0x75: {  	_ =	shalt  }
0x76: {  	_ =	shalt  }
0x77: {  	_ =	shalt  }
0x78: {  	_ =	shalt  }
0x79: {  	_ =	shalt  }
0x7a: {  	_ =	shalt  }
0x7b: {  	_ =	shalt  }
0x7c: {  	_ =	shalt  }
0x7d: {  	_ =	shalt  }
0x7e: {  	_ =	shalt  }
0x7f: {  	_ =	shalt  }
0x80: {  	_ =	shalt  }
0x81: {  	_ =	shalt  }
0x82: {  	_ =	shalt  }
0x83: {  	_ =	shalt  }
0x84: {  	_ =	shalt  }
0x85: {  	_ =	shalt  }
0x86: {  	_ =	shalt  }
0x87: {  	_ =	shalt  }
.Lfunc_end0:
.L_simem_size_0:
called_computation_lowered:
.L_overlay_start_0:
0x88: {  	s2 =	sld [smem:$0x3FD9]  }
0x89: {  	s3 =	sld [smem:$0x3FFE];
	_ =	sdelay $0x1  }
0x8a: {  	s1 =	srdreg.scid  }
0x8b: {  	s0 =	sand.u32 $0x1, s1  }
0x8c: {  	s18 =	sshll.u32 s0, $0xA;
	s2 =	sadd.s32 s3, s2  }
0x8d: {  	s2 =	sadd.s32 s2, s18  }
0x8e: {  	[smem:$0x3FC6] =	sst s2  }
0x8f: {  	_ = 	snop  }
0x90: {  	s2 =	sld [smem:$0x3FC9]  }
0x91: {  	s19 =	sld [smem:$0x3FC8]  }
0x92: {  	s4 =	sld [smem:$0x3FD0];
	(tm) =	ssettm $0x1  }
0x93: {  	s5 =	sld [smem:$0x3FFB];
	_ =	sdelay $0x3  }
0x94: {  	_ =	strace s5  }
0x95: {  	s5 =	sld [smem:$0x3FFC];
	_ =	sdelay $0x3  }
0x96: {  	_ =	strace s5  }
0x97: {  	s5 =	sld [smem:$0x3FFD];
	_ =	sdelay $0x3  }
0x98: {  	_ =	strace s5  }
0x99: {  	_ =	strace $0x8FFFFFFF  }
0x9a: {  	s20 =	sld [smem:$0x3FDB];
	_ =	sdelay $0x1  }
0x9b: {  	s6 =	simm.s32 $_scs_section_size  }
0x9c: {  	s7 =	simm.s32 $_size__tile_overlayer_lowered;
	s8 =	simm.s32 $_tile_overlayer_lowered  }
0x9d: {  	s23 =	simm.s32 $0x1BFF;
	s22 =	sshll.u32 s8, $0x1;
	s5 =	sadd.s32 s6, s20  }
0x9e: {  	s9 =	simm.s32 $0x0;
	s21 =	sshll.u32 s7, $0x1;
	s7 =	sadd.s32 s22, s5  }
0x9f: {  	[timem:s9], [sflag:s23] =	dma.local [hbm:s7], s21  }
0xa0: {  	_ =	swait.ge [sflag:s23], s21  }
0xa1: {  	s6 =	ssub.s32 $0x0, s21;
	[sflag:s23] =	ssyncset.done $0x0  }
0xa2: {  	[sflag:s23] =	ssyncadd.s32 s6;
	_ =	sdelay $0x1  }
0xa3: {  	s24 =	simm.s32 $0x1B8B  }
0xa4: {  	_ =	swait.ge [sflag:s24], $0x1  }
0xa5: {  	[sflag:s24] =	ssyncset.done $0x0  }
0xa6: {  	s25 =	simm.s32 $0x1B8E;
	[sflag:s24] =	ssyncadd.s32 $0xFFFFFFFF  }
0xa7: {  	s26 =	simm.s32 $execute0_lowered;
	[smem:$0x3FD2] =	sst s25  }
0xa8: {  	s6 =	sshll.u32 s26, $0x1;
	_ =	strace $0x80000046;
	[dreg:$0x1] =	wrdreg $0xFFFFFFFF  }
0xa9: {  	s28 =	simm.s32 $_size_execute0_lowered;
	s5 =	sadd.s32 s5, s6;
	[dreg:$0x0] =	wrdreg $0x0  }
0xaa: {  	s6 =	sshll.u32 s28, $0x1;
	[dreg:$0x2] =	wrdreg s5  }
0xab: {  	[dreg:$0x3] =	wrdreg s6  }
0xac: {  	[dreg:$0x4] =	wrdreg $0xC0  }
0xad: {  	_ =	task [dreg:s9], $0x5FFFF  }
0xae: {  	[dreg:$0x1] =	wrdreg $0xFFFFFFFF  }
0xaf: {  	[dreg:$0x0] =	wrdreg $0x60  }
0xb0: {  	[dreg:$0x2] =	wrdreg s2  }
0xb1: {  	[dreg:$0x3] =	wrdreg s19  }
0xb2: {  	[dreg:$0x4] =	wrdreg s4  }
0xb3: {  	[dreg:$0x5] =	wrdreg $0x0  }
0xb4: {  	[dreg:$0x6] =	wrdreg $0x9  }
0xb5: {  	_ =	task.clear_ibuf [dreg:s9], $0x7FFFF;
	_ =	strace $0x90000046  }
0xb6: {  	s29 =	simm.s32 $0x9;
	_ =	strace $0x80000048  }
0xb7: {  	_ =	swait.ge [sflag:s29], $0x1  }
0xb8: {  	[sflag:s29] =	ssyncadd.s32 $0xFFFFFFFF  }
0xb9: {  	_ =	strace $0x90000048  }
0xba: {  	_ =	sfence  }
0xbb: {  	s30 =	sld [smem:$0x0];
	_ =	sdelay $0x2  }
0xbc: {  	s31 =	sshll.u32 s1, $0xD;
	s1 =	sshrl.u32 s1, $0x2  }
0xbd: {  	s3 =	sand.u32 $0x4000, s31;
	s1 =	sadd.s32 s1, s30  }
0xbe: {  	s0 =	sor.u32 s3, s0;
	s1 =	sshll.u32 s1, $0x11  }
0xbf: {  	s0 =	sor.u32 s1, s0  }
0xc0: {  	s0 =	sadd.s32 $0x8F2B, s0  }
0xc1: {  	[sflag:s0] =	ssyncadd.remote.s32 $0x1  }
0xc2: {  	_ =	sfence.sel $0xFFFF  }
0xc3: {  	[dreg:$0x0] =	wrdreg $0xFFFFFFFF;
	(pc) =	sbr.abs _section_cstart, $3  }
0xc4: {  	[dreg:$0x1] =	wrdreg $0xFFFFFFFF  }
0xc5: {  	_ =	task.clear_ibuf [dreg:s9], $0x2FFFF;
	_ =	strace $0x9FFFFFFF  }
0xc6: {  	(tm) =	ssettm $0x7FFFFFFF  }
0xc7: {  	_ =	shalt  }
tec
execute0_lowered:
.L_overlay_start_1:
0x0: {  	(tag) =	ssettag $0x1  }
0x1: {  	s0 =	rddreg [dreg:$0x0];
	s1 =	srdreg.scid  }
0x2: {  	s16 =	stileid.u32;
	s13 =	rddreg [dreg:$0x2];
	s18 =	simm.s32 $0x320  }
0x3: {  	s19 =	simm.s32 $0x6;
	s20 =	simm.s32 $0x80;
	s21 =	simm.s32 $0xFA0  }
0x4: {  	s23 =	simm.s32 $0x4FA0;
	s29 =	simm.s32 $0xCFA0;
	s30 =	simm.s32 $0x2  }
0x5: {  	s17 =	simm.s32 $0x5;
	s28 =	simm.s32 $0x0;
	s1 =	sand.u32 $0x1, s1  }
0x6: {  	s2 =	sshll.u32 s16, $0x1;
	s25 =	smul.u32 $0x18600, s16;
	p0 =	sne.s32 s16, $0x0  }
0x7: {  	p1 =	sgt.u32 s16, $0x9;
	p2 =	slt.u32 s16, $0xA;
	s3 =	sor.u32 s1, s2  }
0x8: {  	s2 =	rddreg [dreg:$0x3];
	s24 =	ssub.s32 $0x2, s1;
	s1 =	smul.u32 $0xC300, s1  }
0x9: {  	s4 =	smul.u32 $0xC30, s3;
	s14 =	smin.u32 s3, $0x14;
	s3 =	simm.s32 $0x0  }
0xa: {  	s7 =	sshrl.u32 s24, $0x1;
	s31 =	sshrl.u32 s2, $0x3;
	s5 =	sshll.u32 s14, $0x3  }
0xb: {  	[smem:$0x7FF] =	sst s3;
	s15 =	ssub.s32 s24, s7;
	s26 =	sshll.u32 s14, $0x7  }
0xc: {  	s24 =	simm.s32 $0x1;
	s4 =	sadd.s32 s4, s5;
	_ =	strace $0x80000047  }
0xd: {  	s14 =	smax.u32 s15, $0x1;
	s6 =	sshll.u32 s4, $0x4;
	s8 =	sshrl.u32 s4, $0x3  }
0xe: {  	[dreg:$0x5] =	wrdreg s31;
	s4 =	sadd.s32 s13, s6;
	s5 =	sadd.s32 s0, s8  }
.Ltmp0:
0xf: {  	s0 =	sadd.s32 s25, s13;
	s6 =	sadd.s32 $0x800, s4;
	(pc) =	sbr.rel .LBB2_1-.Ltmp0, $4  }
0x10: {  	s7 =	sadd.s32 $0x1000, s4;
	s8 =	sadd.s32 $0x1800, s4;
	s9 =	sadd.s32 $0xA000, s4  }
0x11: {  	s10 =	sadd.s32 $0xA800, s4;
	s11 =	sadd.s32 $0xB000, s4;
	s12 =	sadd.s32 $0xB800, s4  }
0x12: {  	s13 =	sadd.s32 $0xC000, s4;
	s0 =	sadd.s32 s1, s0;
	s1 =	simm.s32 $0x3  }
0x13: {  	s15 =	sadd.s32 s26, s0;
	s26 =	simm.s32 $0x8FA0;
	s0 =	simm.s32 $0x4  }
.LBB2_12:
0x14: {  	_ =	swait.ge [sflag:s24], $0x1800  }
0x15: {  	[sflag:s24] =	ssyncset.done $0x0  }
0x16: {  	[sflag:s24] =	ssyncadd.s32 $0xFFFFE800  }
0x17: {  	[hbm4b:s13+s3] =	stream.linear.scatter [tilespmem:s21], [sflag:$0x2], $0x1800, $0x38;
	[tilespmem:$0x10FA0] =	vst v63  }
.LBB2_13:
0x18: {  	_ =	swait.ge [sflag:s1], $0x4000  }
0x19: {  	[sflag:s1] =	ssyncset.done $0x0  }
0x1a: {  	[sflag:s1] =	ssyncadd.s32 $0xFFFFC000  }
0x1b: {  	_ =	swait.ge [sflag:s0], $0x4000  }
0x1c: {  	[sflag:s0] =	ssyncset.done $0x0  }
0x1d: {  	[sflag:s0] =	ssyncadd.s32 $0xFFFFC000  }
0x1e: {  	_ =	swait.ge [sflag:s17], $0x4000  }
0x1f: {  	[sflag:s17] =	ssyncset.done $0x0  }
0x20: {  	s16 =	simm.s32 @!p1 $0x2;
	s28 =	sadd.s32 $0x1, s28;
	[sflag:s17] =	ssyncadd.s32 $0xFFFFC000  }
0x21: {  	p4 =	sne.s32 s28, s14;
	_ =	swait.ge @!p1 [sflag:s16], $0x1C00  }
.Ltmp1:
0x22: {  	[sflag:s16] =	ssyncset.done @!p1 $0x0;
	(pc) =	sbr.rel @!p4 .LBB2_14-.Ltmp1, $4  }
0x23: {  	[sflag:s16] =	ssyncadd.s32 @!p1 $0xFFFFE400;
	s16 =	simm.s32 @p3 $0x2  }
0x24: {  	_ =	swait.ge @p3 [sflag:s16], $0x1800  }
0x25: {  	[sflag:s16] =	ssyncset.done @p3 $0x0  }
0x26: {  	[sflag:s16] =	ssyncadd.s32 @p3 $0xFFFFE800  }
.LBB2_1:
.Ltmp2:
0x27: {  	(pc) =	sbr.rel @!p0 .LBB2_2-.Ltmp2, $1  }
0x28: {  	_ =	sdelay $0x3  }
.Ltmp3:
0x29: {  	(pc) =	sbr.rel @p2 .LBB2_3-.Ltmp3, $1  }
0x2a: {  	_ =	sdelay $0x3  }
.Ltmp4:
0x2b: {  	(pc) =	sbr.rel .LBB2_6-.Ltmp4, $4  }
0x2c: {  	[tilespmem:s18], [sflag:$0x6] =	stream.linear.gather [hbm4b:s5+s3], $0xC30, $0x38;
	[tilespmem:$0x10FA0] =	vst v63  }
0x2d: {  	_ =	swait.ge [sflag:s19], $0xC30  }
0x2e: {  	[sflag:s19] =	ssyncset.done $0x0  }
0x2f: {  	p3 =	por $0x1, $0x1;
	[sflag:s19] =	ssyncadd.s32 $0xFFFFF3D0  }
.LBB2_2:
0x30: {  	s16 =	rddreg [dreg:$0x1]  }
0x31: {  	s22 =	rddreg [dreg:$0x5];
	s25 =	simm.s32 $0x1C01  }
0x32: {  	[spmem:s22], [sflag:s25] =	dma.local [hbm:s16], $0x640  }
.LBB2_3:
0x33: {  	[tilespmem:s18], [sflag:$0x6] =	stream.linear.gather [hbm4b:s5+s3], $0xC38, $0x38;
	[tilespmem:$0x10FA0] =	vst v63  }
0x34: {  	_ =	swait.ge [sflag:s19], $0xC38  }
0x35: {  	[sflag:s19] =	ssyncset.done $0x0  }
0x36: {  	s16 =	simm.s32 @!p0 $0x1;
	[sflag:s19] =	ssyncadd.s32 $0xFFFFF3C8  }
0x37: {  	_ =	swait.ge @!p0 [sflag:s16], $0x640  }
0x38: {  	p4 =	por @!p0 $0x0, $0x0;
	p3 =	por $0x0, $0x0;
	[sflag:s16] =	ssyncset.done @!p0 $0x0  }
0x39: {  	p3 =	por @!p0 p4, p4;
	[sflag:s16] =	ssyncadd.s32 @!p0 $0xFFFFF9C0  }
.LBB2_6:
0x3a: {  	[bflag:$0x0] =	sbarrier.arrive $0xFFFF  }
0x3b: {  	[tilespmem:s21], [sflag:$0x1] =	stream.indirect.gather [spmem:s2], $0x80, s18, s20, $0xb8;
	[tilespmem:$0x10FA0] =	vst v63  }
0x3c: {  	s16 =	simm.s32 $0x3A0  }
0x3d: {  	[tilespmem:s23], [sflag:$0x1] =	stream.indirect.gather [spmem:s2], $0x80, s16, s20, $0xb8;
	[tilespmem:$0x10FA0] =	vst v63  }
0x3e: {  	_ =	swait.ge [sflag:s24], $0x4000  }
0x3f: {  	[sflag:s24] =	ssyncset.done $0x0  }
0x40: {  	s16 =	simm.s32 $0x0;
	[sflag:s24] =	ssyncadd.s32 $0xFFFFC000  }
0x41: {  	[hbm4b:s4+s16] =	stream.linear.scatter [tilespmem:s21], [sflag:$0x2], $0x4000, $0x38;
	[tilespmem:$0x10FA0] =	vst v63  }
0x42: {  	s22 =	simm.s32 $0x420  }
0x43: {  	[tilespmem:s26], [sflag:$0x1] =	stream.indirect.gather [spmem:s2], $0x80, s22, s20, $0xb8;
	[tilespmem:$0x10FA0] =	vst v63  }
0x44: {  	_ =	swait.ge [sflag:s24], $0x4000  }
0x45: {  	[sflag:s24] =	ssyncset.done $0x0  }
0x46: {  	[sflag:s24] =	ssyncadd.s32 $0xFFFFC000  }
0x47: {  	[hbm4b:s6+s16] =	stream.linear.scatter [tilespmem:s23], [sflag:$0x3], $0x4000, $0x38;
	[tilespmem:$0x10FA0] =	vst v63  }
0x48: {  	s25 =	simm.s32 $0x4A0  }
0x49: {  	[tilespmem:s29], [sflag:$0x1] =	stream.indirect.gather [spmem:s2], $0x80, s25, s20, $0xb8;
	[tilespmem:$0x10FA0] =	vst v63  }
0x4a: {  	_ =	swait.ge [sflag:s24], $0x4000  }
0x4b: {  	[sflag:s24] =	ssyncset.done $0x0  }
0x4c: {  	[sflag:s24] =	ssyncadd.s32 $0xFFFFC000  }
0x4d: {  	[hbm4b:s7+s16] =	stream.linear.scatter [tilespmem:s26], [sflag:$0x4], $0x4000, $0x38;
	[tilespmem:$0x10FA0] =	vst v63  }
0x4e: {  	_ =	swait.ge [sflag:s30], $0x4000  }
0x4f: {  	[sflag:s30] =	ssyncset.done $0x0  }
0x50: {  	s25 =	simm.s32 $0x520;
	[sflag:s30] =	ssyncadd.s32 $0xFFFFC000  }
0x51: {  	[tilespmem:s21], [sflag:$0x1] =	stream.indirect.gather [spmem:s2], $0x80, s25, s20, $0xb8;
	[tilespmem:$0x10FA0] =	vst v63  }
0x52: {  	_ =	swait.ge [sflag:s24], $0x4000  }
0x53: {  	[sflag:s24] =	ssyncset.done $0x0  }
0x54: {  	[sflag:s24] =	ssyncadd.s32 $0xFFFFC000  }
0x55: {  	[hbm4b:s8+s16] =	stream.linear.scatter [tilespmem:s29], [sflag:$0x5], $0x4000, $0x38;
	[tilespmem:$0x10FA0] =	vst v63  }
0x56: {  	_ =	swait.ge [sflag:s1], $0x4000  }
0x57: {  	[sflag:s1] =	ssyncset.done $0x0  }
0x58: {  	s22 =	simm.s32 $0x5A0;
	[sflag:s1] =	ssyncadd.s32 $0xFFFFC000  }
0x59: {  	[tilespmem:s23], [sflag:$0x1] =	stream.indirect.gather [spmem:s2], $0x80, s22, s20, $0xb8;
	[tilespmem:$0x10FA0] =	vst v63  }
0x5a: {  	_ =	swait.ge [sflag:s24], $0x4000  }
0x5b: {  	s16 =	sadd.s32 $0x0, s15;
	[sflag:s24] =	ssyncset.done $0x0  }
0x5c: {  	s25 =	sadd.s32 $0x2000, s16;
	[sflag:s24] =	ssyncadd.s32 $0xFFFFC000  }
0x5d: {  	[hbm4b:s25+s3] =	stream.linear.scatter [tilespmem:s21], [sflag:$0x2], $0x4000, $0x38;
	[tilespmem:$0x10FA0] =	vst v63  }
0x5e: {  	_ =	swait.ge [sflag:s0], $0x4000  }
0x5f: {  	[sflag:s0] =	ssyncset.done $0x0  }
0x60: {  	s25 =	simm.s32 $0x620;
	[sflag:s0] =	ssyncadd.s32 $0xFFFFC000  }
0x61: {  	[tilespmem:s26], [sflag:$0x1] =	stream.indirect.gather [spmem:s2], $0x80, s25, s20, $0xb8;
	[tilespmem:$0x10FA0] =	vst v63  }
0x62: {  	_ =	swait.ge [sflag:s24], $0x4000  }
0x63: {  	[sflag:s24] =	ssyncset.done $0x0  }
0x64: {  	s25 =	sadd.s32 $0x2800, s16;
	[sflag:s24] =	ssyncadd.s32 $0xFFFFC000  }
0x65: {  	[hbm4b:s25+s3] =	stream.linear.scatter [tilespmem:s23], [sflag:$0x3], $0x4000, $0x38;
	[tilespmem:$0x10FA0] =	vst v63  }
0x66: {  	_ =	swait.ge [sflag:s17], $0x4000  }
0x67: {  	[sflag:s17] =	ssyncset.done $0x0  }
0x68: {  	s25 =	simm.s32 $0x6A0;
	[sflag:s17] =	ssyncadd.s32 $0xFFFFC000  }
0x69: {  	[tilespmem:s29], [sflag:$0x1] =	stream.indirect.gather [spmem:s2], $0x80, s25, s20, $0xb8;
	[tilespmem:$0x10FA0] =	vst v63  }
0x6a: {  	_ =	swait.ge [sflag:s24], $0x4000  }
0x6b: {  	[sflag:s24] =	ssyncset.done $0x0  }
0x6c: {  	s25 =	sadd.s32 $0x3000, s16;
	[sflag:s24] =	ssyncadd.s32 $0xFFFFC000  }
0x6d: {  	[hbm4b:s25+s3] =	stream.linear.scatter [tilespmem:s26], [sflag:$0x4], $0x4000, $0x38;
	[tilespmem:$0x10FA0] =	vst v63  }
0x6e: {  	_ =	swait.ge [sflag:s30], $0x4000  }
0x6f: {  	[sflag:s30] =	ssyncset.done $0x0  }
0x70: {  	s25 =	simm.s32 $0x720;
	[sflag:s30] =	ssyncadd.s32 $0xFFFFC000  }
0x71: {  	[tilespmem:s21], [sflag:$0x1] =	stream.indirect.gather [spmem:s2], $0x80, s25, s20, $0xb8;
	[tilespmem:$0x10FA0] =	vst v63  }
0x72: {  	_ =	swait.ge [sflag:s24], $0x4000  }
0x73: {  	s31 =	simm.s32 $0x2000;
	[sflag:s24] =	ssyncset.done $0x0  }
0x74: {  	s22 =	sadd.s32 $0x3800, s16;
	s16 =	simm.s32 $0x920;
	[sflag:s24] =	ssyncadd.s32 $0xFFFFC000  }
.LBB2_7:
0x75: {  	[hbm4b:s22+s3] =	stream.linear.scatter [tilespmem:s29], [sflag:$0x5], $0x4000, $0x38;
	[tilespmem:$0x10FA0] =	vst v63  }
0x76: {  	s22 =	smov.u32 s31  }
0x77: {  	p4 =	sne.s32 s31, $0x6000;
	s31 =	sadd.s32 $0x2000, s31;
	_ =	swait.ge [sflag:s1], $0x4000  }
0x78: {  	[sflag:s1] =	ssyncset.done $0x0  }
0x79: {  	s25 =	sadd.s32 $0xFFFFFE80, s16;
	[sflag:s1] =	ssyncadd.s32 $0xFFFFC000  }
0x7a: {  	[tilespmem:s23], [sflag:$0x1] =	stream.indirect.gather [spmem:s2], $0x80, s25, s20, $0xb8;
	[tilespmem:$0x10FA0] =	vst v63  }
0x7b: {  	_ =	swait.ge [sflag:s24], $0x4000  }
0x7c: {  	s22 =	sadd.s32 s22, s15;
	[sflag:s24] =	ssyncset.done $0x0  }
0x7d: {  	s25 =	sadd.s32 $0x2000, s22;
	[sflag:s24] =	ssyncadd.s32 $0xFFFFC000  }
0x7e: {  	[hbm4b:s25+s3] =	stream.linear.scatter [tilespmem:s21], [sflag:$0x2], $0x4000, $0x38;
	[tilespmem:$0x10FA0] =	vst v63  }
0x7f: {  	_ =	swait.ge [sflag:s0], $0x4000  }
0x80: {  	[sflag:s0] =	ssyncset.done $0x0  }
0x81: {  	s25 =	sadd.s32 $0xFFFFFF00, s16;
	[sflag:s0] =	ssyncadd.s32 $0xFFFFC000  }
0x82: {  	[tilespmem:s26], [sflag:$0x1] =	stream.indirect.gather [spmem:s2], $0x80, s25, s20, $0xb8;
	[tilespmem:$0x10FA0] =	vst v63  }
0x83: {  	_ =	swait.ge [sflag:s24], $0x4000  }
0x84: {  	[sflag:s24] =	ssyncset.done $0x0  }
0x85: {  	s25 =	sadd.s32 $0x2800, s22;
	[sflag:s24] =	ssyncadd.s32 $0xFFFFC000  }
0x86: {  	[hbm4b:s25+s3] =	stream.linear.scatter [tilespmem:s23], [sflag:$0x3], $0x4000, $0x38;
	[tilespmem:$0x10FA0] =	vst v63  }
0x87: {  	_ =	swait.ge [sflag:s17], $0x4000  }
0x88: {  	[sflag:s17] =	ssyncset.done $0x0  }
0x89: {  	s25 =	sadd.s32 $0xFFFFFF80, s16;
	[sflag:s17] =	ssyncadd.s32 $0xFFFFC000  }
0x8a: {  	[tilespmem:s29], [sflag:$0x1] =	stream.indirect.gather [spmem:s2], $0x80, s25, s20, $0xb8;
	[tilespmem:$0x10FA0] =	vst v63  }
0x8b: {  	_ =	swait.ge [sflag:s24], $0x4000  }
0x8c: {  	[sflag:s24] =	ssyncset.done $0x0  }
0x8d: {  	s25 =	sadd.s32 $0x3000, s22;
	[sflag:s24] =	ssyncadd.s32 $0xFFFFC000  }
0x8e: {  	[hbm4b:s25+s3] =	stream.linear.scatter [tilespmem:s26], [sflag:$0x4], $0x4000, $0x38;
	[tilespmem:$0x10FA0] =	vst v63  }
0x8f: {  	_ =	swait.ge [sflag:s30], $0x4000  }
0x90: {  	[sflag:s30] =	ssyncset.done $0x0  }
.Ltmp5:
0x91: {  	[sflag:s30] =	ssyncadd.s32 $0xFFFFC000;
	(pc) =	sbr.rel @p4 .LBB2_7-.Ltmp5, $4  }
0x92: {  	[tilespmem:s21], [sflag:$0x1] =	stream.indirect.gather [spmem:s2], $0x80, s16, s20, $0xb8;
	[tilespmem:$0x10FA0] =	vst v63  }
0x93: {  	_ =	swait.ge [sflag:s24], $0x4000  }
0x94: {  	[sflag:s24] =	ssyncset.done $0x0  }
0x95: {  	s22 =	sadd.s32 $0x3800, s22;
	s16 =	sadd.s32 $0x200, s16;
	[sflag:s24] =	ssyncadd.s32 $0xFFFFC000  }
0x96: {  	[hbm4b:s22+s3] =	stream.linear.scatter [tilespmem:s29], [sflag:$0x5], $0x4000, $0x38;
	[tilespmem:$0x10FA0] =	vst v63  }
0x97: {  	_ =	swait.ge [sflag:s1], $0x4000  }
0x98: {  	[sflag:s1] =	ssyncset.done $0x0  }
0x99: {  	s16 =	simm.s32 $0xDA0;
	[sflag:s1] =	ssyncadd.s32 $0xFFFFC000  }
0x9a: {  	[tilespmem:s23], [sflag:$0x1] =	stream.indirect.gather [spmem:s2], $0x80, s16, s20, $0xb8;
	[tilespmem:$0x10FA0] =	vst v63  }
0x9b: {  	_ =	swait.ge [sflag:s24], $0x4000  }
0x9c: {  	[sflag:s24] =	ssyncset.done $0x0  }
0x9d: {  	[sflag:s24] =	ssyncadd.s32 $0xFFFFC000  }
0x9e: {  	[hbm4b:s9+s3] =	stream.linear.scatter [tilespmem:s21], [sflag:$0x2], $0x4000, $0x38;
	[tilespmem:$0x10FA0] =	vst v63  }
0x9f: {  	_ =	swait.ge [sflag:s0], $0x4000  }
0xa0: {  	[sflag:s0] =	ssyncset.done $0x0  }
0xa1: {  	s25 =	simm.s32 $0xE20;
	[sflag:s0] =	ssyncadd.s32 $0xFFFFC000  }
0xa2: {  	[tilespmem:s26], [sflag:$0x1] =	stream.indirect.gather [spmem:s2], $0x80, s25, s20, $0xb8;
	[tilespmem:$0x10FA0] =	vst v63  }
0xa3: {  	_ =	swait.ge [sflag:s24], $0x4000  }
0xa4: {  	[sflag:s24] =	ssyncset.done $0x0  }
0xa5: {  	[sflag:s24] =	ssyncadd.s32 $0xFFFFC000  }
0xa6: {  	[hbm4b:s10+s3] =	stream.linear.scatter [tilespmem:s23], [sflag:$0x3], $0x4000, $0x38;
	[tilespmem:$0x10FA0] =	vst v63  }
0xa7: {  	_ =	swait.ge [sflag:s17], $0x4000  }
0xa8: {  	[sflag:s17] =	ssyncset.done $0x0  }
0xa9: {  	s31 =	simm.s32 $0xEA0;
	[sflag:s17] =	ssyncadd.s32 $0xFFFFC000  }
0xaa: {  	[tilespmem:s29], [sflag:$0x1] =	stream.indirect.gather [spmem:s2], $0x80, s31, s20, $0xb8;
	[tilespmem:$0x10FA0] =	vst v63  }
0xab: {  	_ =	swait.ge [sflag:s24], $0x4000  }
0xac: {  	[sflag:s24] =	ssyncset.done $0x0  }
0xad: {  	[sflag:s24] =	ssyncadd.s32 $0xFFFFC000  }
0xae: {  	[hbm4b:s11+s3] =	stream.linear.scatter [tilespmem:s26], [sflag:$0x4], $0x4000, $0x38;
	[tilespmem:$0x10FA0] =	vst v63  }
0xaf: {  	_ =	swait.ge [sflag:s30], $0x4000  }
0xb0: {  	s22 =	simm.s32 @!p1 $0xF20;
	[sflag:s30] =	ssyncset.done $0x0  }
0xb1: {  	s16 =	simm.s32 @!p1 $0x38;
	s25 =	simm.s32 @!p1 $0xFA0;
	[sflag:s30] =	ssyncadd.s32 $0xFFFFC000  }
0xb2: {  	[tilespmem:s25], [sflag:$0x1] =	stream.indirect.gather @!p1 [spmem:s2], $0x80, s22, s16, $0xb8;
	[tilespmem:$0x10FA0] =	vst v63  }
0xb3: {  	s16 =	simm.s32 @p3 $0x30;
	s22 =	simm.s32 @p3 $0xF20;
	s25 =	simm.s32 @p3 $0xFA0  }
0xb4: {  	[tilespmem:s25], [sflag:$0x1] =	stream.indirect.gather @p3 [spmem:s2], $0x80, s22, s16, $0xb8;
	[tilespmem:$0x10FA0] =	vst v63  }
.Ltmp6:
0xb5: {  	_ = 	snop;
	(pc) =	sbr.rel @p1 .LBB2_11-.Ltmp6, $4  }
0xb6: {  	_ =	swait.ge [sflag:s24], $0x4000  }
0xb7: {  	[sflag:s24] =	ssyncset.done $0x0  }
0xb8: {  	[sflag:s24] =	ssyncadd.s32 $0xFFFFC000  }
0xb9: {  	[hbm4b:s12+s3] =	stream.linear.scatter [tilespmem:s29], [sflag:$0x5], $0x4000, $0x38;
	[tilespmem:$0x10FA0] =	vst v63  }
.Ltmp7:
0xba: {  	(pc) =	sbr.rel @p3 .LBB2_12-.Ltmp7, $4  }
0xbb: {  	_ = 	snop  }
0xbc: {  	_ =	swait.ge [sflag:s24], $0x1C00  }
0xbd: {  	[sflag:s24] =	ssyncset.done $0x0  }
0xbe: {  	[sflag:s24] =	ssyncadd.s32 $0xFFFFE400  }
.Ltmp8:
0xbf: {  	(pc) =	sbr.rel .LBB2_13-.Ltmp8, $2  }
0xc0: {  	_ =	sdelay $0x2  }
0xc1: {  	[hbm4b:s13+s3] =	stream.linear.scatter [tilespmem:s21], [sflag:$0x2], $0x1C00, $0x38;
	[tilespmem:$0x10FA0] =	vst v63  }
.LBB2_11:
.Ltmp9:
0xc2: {  	(pc) =	sbr.rel @!p3 .LBB2_13-.Ltmp9, $4  }
.Ltmp10:
0xc3: {  	(pc) =	sbr.rel @p3 .LBB2_12-.Ltmp10, $4  }
0xc4: {  	_ = 	snop  }
0xc5: {  	_ = 	snop  }
0xc6: {  	_ = 	snop  }
0xc7: {  	_ = 	snop  }
.LBB2_14:
0xc8: {  	_ =	sfence.sel $0x180000  }
0xc9: {  	[bflag:$0x0] =	sbarrier.arrive $0xFFFF  }
0xca: {  	_ =	strace $0x90000047  }
0xcb: {  	[bflag:$0x2] =	sbarrier.arrive $0xFFFF  }
0xcc: {  	s0 =	rddreg [dreg:$0x4]  }
0xcd: {  	s0 =	sadd.s32 @!p0 $0x100000, s0  }
0xce: {  	[sflag:s0] =	ssyncadd.tile.s32 @!p0 $0x1;
	_ =	shalt  }
.Lfunc_end2:
_tile_overlayer_lowered:
.L_overlay_start_2:
0xcf: {  	(tag) =	ssettag $0x2  }
0xd0: {  	s0 =	rddreg [dreg:$0x0];
	s2 =	stileid.u32  }
0xd1: {  	s1 =	rddreg [dreg:$0x1];
	p0 =	sne.s32 s2, $0x0  }
0xd2: {  	s3 =	rddreg [dreg:$0x2];
	[bflag:$0x3] =	sbarrier.arrive $0xFFFF;
	s2 =	simm.s32 @!p0 $0x1C06  }
0xd3: {  	[timem:s3], [sflag:s2] =	dma.local @!p0 [hbm:s0], s1  }
0xd4: {  	s0 =	simm.s32 @!p0 $0x6  }
0xd5: {  	_ =	swait.ge @!p0 [sflag:s0], s1  }
0xd6: {  	s1 =	ssub.s32 @!p0 $0x0, s1;
	[sflag:s0] =	ssyncset.done @!p0 $0x0  }
0xd7: {  	[sflag:s0] =	ssyncadd.s32 @!p0 s1  }
0xd8: {  	[bflag:$0x3] =	sbarrier.arrive $0xFFFF  }
0xd9: {  	_ =	shalt  }

</sc_bundles>
